<compile_context>
chip_gen: v7x
topology: tpu7x:2x2x1
jax: 0.10.2.dev20260603
libtpu: 0.0.44.dev20260713+nightly
codegen_flags: <defaults>
</compile_context>

<pallas_src>
import functools

import jax
import jax.numpy as jnp
from jax import lax
from jax.experimental import pallas as pl
from jax.experimental.pallas import tpu as pltpu
from jax.experimental.pallas import tpu_sc as plsc

_B = 128
_L = 2048
_H = 64
_V = 64
_K = 4
_NC, _NS, _LANES = 2, 16, 16
_NW = _NC * _NS
_RPW = _B // _NW


def _make_sc_hist():
    mesh = plsc.VectorSubcoreMesh(core_axis_name="c", subcore_axis_name="s",
                                  num_cores=_NC, num_subcores=_NS)

    @functools.partial(
        pl.kernel,
        out_type=jax.ShapeDtypeStruct((_B, _V), jnp.float32),
        mesh=mesh,
        scratch_types=[
            pltpu.VMEM((_L,), jnp.int32),
            pltpu.VMEM((_L,), jnp.int32),
            pltpu.VMEM((_V,), jnp.float32),
            pltpu.SemaphoreType.DMA,
            pltpu.SemaphoreType.DMA,
        ],
        compiler_params=pltpu.CompilerParams(needs_layout_passes=False),
    )
    def sc_hist(seq_hbm, counts_hbm, tok_a, tok_b, cnt_v, sem_a, sem_b):
        wid = lax.axis_index("s") * _NC + lax.axis_index("c")
        base = wid * _RPW
        bufs, sems = (tok_a, tok_b), (sem_a, sem_b)
        ones = jnp.ones((_LANES,), jnp.float32)
        pending = pltpu.async_copy(seq_hbm.at[base], tok_a, sem_a)
        for r in range(_RPW):
            buf = bufs[r % 2]
            pending.wait()
            if r + 1 < _RPW:
                pending = pltpu.async_copy(seq_hbm.at[base + r + 1],
                                           bufs[(r + 1) % 2], sems[(r + 1) % 2])
            for i in range(_V // _LANES):
                cnt_v[pl.ds(i * _LANES, _LANES)] = jnp.zeros((_LANES,),
                                                             jnp.float32)

            def step(j, carry, buf=buf):
                for u in range(8):
                    idx = buf[pl.ds((j * 8 + u) * _LANES, _LANES)]
                    plsc.addupdate_scatter(cnt_v, [idx], ones)
                return carry

            lax.fori_loop(0, _L // (_LANES * 8), step, 0)
            pltpu.sync_copy(cnt_v, counts_hbm.at[base + r])

    return sc_hist


def _tc_kernel(counts_ref, lasttok_ref, embed_ref, W1_ref, b1_ref, W2_ref,
               b2_ref, gamma_ref, beta_ref, Wg1_ref, bg1_ref, Wg2_ref,
               bg2_ref, Wq_ref, bq_ref, Wout_ref, bout_ref, out_ref):
    f32 = jnp.float32
    hi = jax.lax.Precision.HIGHEST

    emb = embed_ref[...]
    ff1 = jnp.maximum(
        jnp.dot(emb, W1_ref[...], preferred_element_type=f32,
                precision=hi) + b1_ref[...], 0.0)
    ff = jnp.dot(ff1, W2_ref[...], preferred_element_type=f32,
                 precision=hi) + b2_ref[...]
    x = emb + ff
    mean = jnp.mean(x, axis=1, keepdims=True)
    var = jnp.mean((x - mean) ** 2, axis=1, keepdims=True)
    h = (x - mean) / jnp.sqrt(var + 1e-5) * gamma_ref[...] + beta_ref[...]

    g1 = jnp.maximum(
        jnp.dot(h, Wg1_ref[...], preferred_element_type=f32,
                precision=hi) + bg1_ref[...], 0.0)
    gl = jnp.dot(g1, Wg2_ref[...], preferred_element_type=f32,
                 precision=hi) + bg2_ref[...]

    iota_col = jax.lax.broadcasted_iota(jnp.int32, (_V, 1), 0)
    iota_row = jax.lax.broadcasted_iota(jnp.int32, (1, _V), 1)

    g_col = gl
    g_bcast = gl + jnp.zeros((1, _V), f32)
    g_row = jnp.sum(jnp.where(iota_col == iota_row, g_bcast, 0.0),
                    axis=0, keepdims=True)

    bigger = (g_col > g_row) | ((g_col == g_row) & (iota_col < iota_row))
    r_row = jnp.sum(bigger.astype(f32), axis=0, keepdims=True)
    bigger2 = (g_row > g_col) | ((g_row == g_col) & (iota_row < iota_col))
    r_col = jnp.sum(bigger2.astype(f32), axis=1, keepdims=True)

    perm = (iota_col.astype(f32) == r_row).astype(f32)
    perm_t = (r_col == iota_row.astype(f32)).astype(f32)

    h_sorted = jnp.dot(perm, h, preferred_element_type=f32, precision=hi)

    counts = counts_ref[...]

    counts_sorted = jnp.dot(counts, perm_t, preferred_element_type=f32,
                            precision=hi)
    lower_tri = (iota_col <= iota_row).astype(f32)
    cum = jnp.dot(counts_sorted, lower_tri, preferred_element_type=f32,
                  precision=hi)
    cum_excl = cum - counts_sorted

    tq = lasttok_ref[...]
    q_onehot = (tq == iota_row).astype(f32)
    query_h = jnp.dot(q_onehot, h, preferred_element_type=f32, precision=hi)
    q = jnp.dot(query_h, Wq_ref[...], preferred_element_type=f32,
                precision=hi) + bq_ref[...]

    slots = []
    scores = []
    for j in range(_K):
        sel = ((cum_excl <= j) & (cum > j)).astype(f32)
        slot = jnp.dot(sel, h_sorted, preferred_element_type=f32,
                       precision=hi)
        slots.append(slot)
        scores.append(jnp.sum(slot * q, axis=1, keepdims=True) * 0.125)

    smax = jnp.maximum(jnp.maximum(scores[0], scores[1]),
                       jnp.maximum(scores[2], scores[3]))
    exps = [jnp.exp(s - smax) for s in scores]
    denom = exps[0] + exps[1] + exps[2] + exps[3]
    pooled = sum(e * s for e, s in zip(exps, slots)) / denom

    out_ref[...] = (jnp.dot(pooled, Wout_ref[...], preferred_element_type=f32,
                            precision=hi) + bout_ref[...])


def kernel(seq, embed, W1, b1, W2, b2, gamma, beta, Wg1, bg1, Wg2, bg2,
           Wq, bq, Wout, bout):
    row = lambda a: a.reshape(1, -1)
    seq = seq.astype(jnp.int32)
    counts = _make_sc_hist()(seq)
    lasttok = seq[:, _L - 1:_L]
    return pl.pallas_call(
        _tc_kernel,
        out_shape=jax.ShapeDtypeStruct((_B, _H), jnp.float32),
    )(counts, lasttok, embed, W1, row(b1), W2, row(b2), row(gamma),
      row(beta), Wg1, row(bg1), Wg2, row(bg2), Wq, row(bq), Wout, row(bout))

# --- scband reference (transcript-rebuilt; emitter-appended) ---
"""Pipeline reference for scband-baseline-no-reenc-model-3204045603567 (READ-ONLY COPY).

The authoritative reference and input builder live on the scoring server;
editing this copy changes nothing except your own understanding.
"""

import jax, jax.numpy as jnp
import numpy as np

HIDDEN_DIM = 64
VOCAB_SIZE = 64
FORWARD_SLOTS = 4


def _init_linear(key, fan_in, fan_out):
    k1, k2 = jax.random.split(key)
    bound = 1.0 / np.sqrt(fan_in)
    W = jax.random.uniform(k1, (fan_in, fan_out), jnp.float32, -bound, bound)
    b = jax.random.uniform(k2, (fan_out,), jnp.float32, -bound, bound)
    return W, b


def setup_inputs(seed: int = 0) -> dict:
    key = jax.random.key(seed)
    ks = jax.random.split(key, 10)
    seq = jax.random.randint(ks[0], (128, 2048), 0, VOCAB_SIZE)
    embed = jax.random.normal(ks[1], (VOCAB_SIZE, HIDDEN_DIM), jnp.float32)
    W1, b1 = _init_linear(ks[2], HIDDEN_DIM, HIDDEN_DIM * 2)
    W2, b2 = _init_linear(ks[3], HIDDEN_DIM * 2, HIDDEN_DIM)
    gamma = jnp.ones((HIDDEN_DIM,), jnp.float32)
    beta = jnp.zeros((HIDDEN_DIM,), jnp.float32)
    Wg1, bg1 = _init_linear(ks[4], HIDDEN_DIM, HIDDEN_DIM // 2)
    Wg2, bg2 = _init_linear(ks[5], HIDDEN_DIM // 2, 1)
    Wq, bq = _init_linear(ks[6], HIDDEN_DIM, HIDDEN_DIM)
    Wout, bout = _init_linear(ks[7], HIDDEN_DIM, VOCAB_SIZE)
    return {"seq": seq, "embed": embed, "W1": W1, "b1": b1, "W2": W2, "b2": b2,
            "gamma": gamma, "beta": beta, "Wg1": Wg1, "bg1": bg1, "Wg2": Wg2, "bg2": bg2,
            "Wq": Wq, "bq": bq, "Wout": Wout, "bout": bout}


def _layernorm(x, gamma, beta):
    m = jnp.mean(x, axis=-1, keepdims=True)
    v = jnp.mean((x - m) ** 2, axis=-1, keepdims=True)
    return (x - m) / jnp.sqrt(v + 1e-5) * gamma + beta


def reference(seq, embed, W1, b1, W2, b2, gamma, beta, Wg1, bg1, Wg2, bg2, Wq, bq, Wout, bout):
    # Encoder
    h0 = jnp.take(embed, seq, axis=0)                       # [B, L, H]
    ff = jnp.maximum(h0 @ W1 + b1, 0.0) @ W2 + b2
    h = _layernorm(h0 + ff, gamma, beta)                    # [B, L, H]
    # ForwardGate -> top-k slot selection
    g = jax.nn.sigmoid(jnp.maximum(h @ Wg1 + bg1, 0.0) @ Wg2 + bg2)[..., 0]  # [B, L]
    L = h.shape[1]
    k = min(FORWARD_SLOTS, L)
    _, idx = jax.lax.top_k(g, k)                            # [B, k]
    slots = jnp.take_along_axis(h, idx[:, :, None], axis=1)  # [B, k, H]
    # ReadHead
    query_h = h[:, -1, :]                                   # [B, H]
    q = query_h @ Wq + bq                                   # [B, H]
    scores = jnp.einsum('bkh,bh->bk', slots, q) / np.sqrt(HIDDEN_DIM)
    attn = jax.nn.softmax(scores, axis=-1)                  # [B, k]
    pooled = jnp.sum(attn[:, :, None] * slots, axis=1)      # [B, H]
    return pooled @ Wout + bout                             # [B, VOCAB_SIZE]

if __name__ == "__main__":
    import jax
    _d = setup_inputs()
    print(jax.jit(kernel)(*tuple(_d.values())))

</pallas_src>

<mosaic_0001>
#map = affine_map<(d0, d1) -> (0, 0)>
module attributes {stable_mosaic.version = 14 : i64} {
  func.func @sc_hist(%arg0: i32, %arg1: i32, %arg2: memref<128x2048xi32, #tpu.memory_space<hbm>>, %arg3: memref<128x64xf32, #tpu.memory_space<hbm>>, %arg4: memref<2048xi32, #tpu.memory_space<vmem>>, %arg5: memref<2048xi32, #tpu.memory_space<vmem>>, %arg6: memref<64xf32, #tpu.memory_space<vmem>>, %arg7: memref<!tpu.dma_semaphore, #tpu.memory_space<semaphore_mem>>, %arg8: memref<!tpu.dma_semaphore, #tpu.memory_space<semaphore_mem>>) attributes {dimension_semantics = [#tpu.dimension_semantics<core_parallel>, #tpu.dimension_semantics<subcore_parallel>], iteration_bounds = array<i64: 2, 16>, scalar_prefetch = 0 : i64, scratch_operands = 5 : i64, tpu.core_type = #tpu.core_type<sc_vector_subcore>, window_params = [{transform_indices = #map}, {transform_indices = #map}]} {
    %mul3A = arith.constant 2 : i32
    %mul3A_0 = arith.muli %arg1, %mul3A : i32
    %add3A = arith.addi %mul3A_0, %arg0 : i32
    %mul3A_1 = arith.constant 4 : i32
    %mul3A_2 = arith.muli %add3A, %mul3A_1 : i32
    %broadcast_in_dim3A = arith.constant 1.000000e+00 : f32
    %broadcast_in_dim3A_3 = vector.broadcast %broadcast_in_dim3A : f32 to vector<16xf32>
    %dma_start3A = arith.constant 0 : i32
    %dma_start3A_4 = tpu.memref_slice %arg2[%mul3A_2, %dma_start3A] : memref<128x2048xi32, #tpu.memory_space<hbm>> -> memref<1x2048xi32, #tpu.memory_space<hbm>>
    %dma_start3A_5 = tpu.memref_squeeze %dma_start3A_4 : memref<1x2048xi32, #tpu.memory_space<hbm>> -> memref<2048xi32, #tpu.memory_space<hbm>>
    %dma_start3A_6 = arith.constant 0 : i32
    %dma_start3A_7 = tpu.memref_slice %arg2[%mul3A_2, %dma_start3A_6] : memref<128x2048xi32, #tpu.memory_space<hbm>> -> memref<1x2048xi32, #tpu.memory_space<hbm>>
    %dma_start3A_8 = tpu.memref_squeeze %dma_start3A_7 : memref<1x2048xi32, #tpu.memory_space<hbm>> -> memref<2048xi32, #tpu.memory_space<hbm>>
    tpu.enqueue_dma source(%dma_start3A_8 : memref<2048xi32, #tpu.memory_space<hbm>>) target(%arg4 : memref<2048xi32, #tpu.memory_space<vmem>>) target_semaphore(%arg7 : memref<!tpu.dma_semaphore, #tpu.memory_space<semaphore_mem>>)
    %dma_wait3A = arith.constant 0 : i32
    %dma_wait3A_9 = tpu.memref_slice %arg2[%mul3A_2, %dma_wait3A] : memref<128x2048xi32, #tpu.memory_space<hbm>> -> memref<1x2048xi32, #tpu.memory_space<hbm>>
    %dma_wait3A_10 = tpu.memref_squeeze %dma_wait3A_9 : memref<1x2048xi32, #tpu.memory_space<hbm>> -> memref<2048xi32, #tpu.memory_space<hbm>>
    %dma_wait3A_11 = arith.constant 0 : i32
    %dma_wait3A_12 = tpu.memref_slice %arg2[%mul3A_2, %dma_wait3A_11] : memref<128x2048xi32, #tpu.memory_space<hbm>> -> memref<1x2048xi32, #tpu.memory_space<hbm>>
    %dma_wait3A_13 = tpu.memref_squeeze %dma_wait3A_12 : memref<1x2048xi32, #tpu.memory_space<hbm>> -> memref<2048xi32, #tpu.memory_space<hbm>>
    tpu.wait_dma2 semaphore(%arg7 : memref<!tpu.dma_semaphore, #tpu.memory_space<semaphore_mem>>) src(%dma_wait3A_13 : memref<2048xi32, #tpu.memory_space<hbm>>) dst(%arg4 : memref<2048xi32, #tpu.memory_space<vmem>>)
    %add3A_14 = arith.constant 0 : i32
    %add3A_15 = arith.addi %mul3A_2, %add3A_14 : i32
    %add3A_16 = arith.constant 1 : i32
    %add3A_17 = arith.addi %add3A_15, %add3A_16 : i32
    %dma_start3A_18 = arith.constant 0 : i32
    %dma_start3A_19 = tpu.memref_slice %arg2[%add3A_17, %dma_start3A_18] : memref<128x2048xi32, #tpu.memory_space<hbm>> -> memref<1x2048xi32, #tpu.memory_space<hbm>>
    %dma_start3A_20 = tpu.memref_squeeze %dma_start3A_19 : memref<1x2048xi32, #tpu.memory_space<hbm>> -> memref<2048xi32, #tpu.memory_space<hbm>>
    %dma_start3A_21 = arith.constant 0 : i32
    %dma_start3A_22 = tpu.memref_slice %arg2[%add3A_17, %dma_start3A_21] : memref<128x2048xi32, #tpu.memory_space<hbm>> -> memref<1x2048xi32, #tpu.memory_space<hbm>>
    %dma_start3A_23 = tpu.memref_squeeze %dma_start3A_22 : memref<1x2048xi32, #tpu.memory_space<hbm>> -> memref<2048xi32, #tpu.memory_space<hbm>>
    tpu.enqueue_dma source(%dma_start3A_23 : memref<2048xi32, #tpu.memory_space<hbm>>) target(%arg5 : memref<2048xi32, #tpu.memory_space<vmem>>) target_semaphore(%arg8 : memref<!tpu.dma_semaphore, #tpu.memory_space<semaphore_mem>>)
    %broadcast_in_dim3A_24 = arith.constant 0.000000e+00 : f32
    %broadcast_in_dim3A_25 = vector.broadcast %broadcast_in_dim3A_24 : f32 to vector<16xf32>
    %swap3A = arith.constant 0 : index
    %swap3A_26 = tpu.vector_load %arg6[%swap3A] {strides = array<i32>} : memref<64xf32, #tpu.memory_space<vmem>>, vector<16xf32>,
    tpu.vector_store %arg6[%swap3A], %broadcast_in_dim3A_25 {strides = array<i32>} : memref<64xf32, #tpu.memory_space<vmem>>, vector<16xf32>,
    %broadcast_in_dim3A_27 = arith.constant 0.000000e+00 : f32
    %broadcast_in_dim3A_28 = vector.broadcast %broadcast_in_dim3A_27 : f32 to vector<16xf32>
    %swap3A_29 = arith.constant 16 : index
    %swap3A_30 = tpu.vector_load %arg6[%swap3A_29] {strides = array<i32>} : memref<64xf32, #tpu.memory_space<vmem>>, vector<16xf32>,
    tpu.vector_store %arg6[%swap3A_29], %broadcast_in_dim3A_28 {strides = array<i32>} : memref<64xf32, #tpu.memory_space<vmem>>, vector<16xf32>,
    %broadcast_in_dim3A_31 = arith.constant 0.000000e+00 : f32
    %broadcast_in_dim3A_32 = vector.broadcast %broadcast_in_dim3A_31 : f32 to vector<16xf32>
    %swap3A_33 = arith.constant 32 : index
    %swap3A_34 = tpu.vector_load %arg6[%swap3A_33] {strides = array<i32>} : memref<64xf32, #tpu.memory_space<vmem>>, vector<16xf32>,
    tpu.vector_store %arg6[%swap3A_33], %broadcast_in_dim3A_32 {strides = array<i32>} : memref<64xf32, #tpu.memory_space<vmem>>, vector<16xf32>,
    %broadcast_in_dim3A_35 = arith.constant 0.000000e+00 : f32
    %broadcast_in_dim3A_36 = vector.broadcast %broadcast_in_dim3A_35 : f32 to vector<16xf32>
    %swap3A_37 = arith.constant 48 : index
    %swap3A_38 = tpu.vector_load %arg6[%swap3A_37] {strides = array<i32>} : memref<64xf32, #tpu.memory_space<vmem>>, vector<16xf32>,
    tpu.vector_store %arg6[%swap3A_37], %broadcast_in_dim3A_36 {strides = array<i32>} : memref<64xf32, #tpu.memory_space<vmem>>, vector<16xf32>,
    %scan3A = arith.constant 0 : i32
    %scan3A_39 = arith.constant 0 : i32
    %scan3A_40 = arith.constant 16 : i32
    %scan3A_41 = arith.addi %scan3A_39, %scan3A_40 : i32
    %scan3A_42 = arith.constant 1 : i32
    scf.for %scan3A_156 = %scan3A_39 to %scan3A_41 step %scan3A_42  : i32 {
      %mul3A_157 = arith.constant 8 : i32
      %mul3A_158 = arith.muli %scan3A_156, %mul3A_157 : i32
      %add3A_159 = arith.constant 0 : i32
      %add3A_160 = arith.addi %mul3A_158, %add3A_159 : i32
      %mul3A_161 = arith.constant 16 : i32
      %mul3A_162 = arith.muli %add3A_160, %mul3A_161 : i32
      %get3A = arith.index_cast %mul3A_162 : i32 to index
      %get3A_163 = tpu.vector_load %arg4[%get3A] {strides = array<i32>} : memref<2048xi32, #tpu.memory_space<vmem>>, vector<16xi32>,
      tpu.vector_store_idx %arg6[%get3A_163], %broadcast_in_dim3A_3 {add = true} : memref<64xf32, #tpu.memory_space<vmem>>[vector<16xi32>], vector<16xf32>,
      %mul3A_164 = arith.constant 8 : i32
      %mul3A_165 = arith.muli %scan3A_156, %mul3A_164 : i32
      %add3A_166 = arith.constant 1 : i32
      %add3A_167 = arith.addi %mul3A_165, %add3A_166 : i32
      %mul3A_168 = arith.constant 16 : i32
      %mul3A_169 = arith.muli %add3A_167, %mul3A_168 : i32
      %get3A_170 = arith.index_cast %mul3A_169 : i32 to index
      %get3A_171 = tpu.vector_load %arg4[%get3A_170] {strides = array<i32>} : memref<2048xi32, #tpu.memory_space<vmem>>, vector<16xi32>,
      tpu.vector_store_idx %arg6[%get3A_171], %broadcast_in_dim3A_3 {add = true} : memref<64xf32, #tpu.memory_space<vmem>>[vector<16xi32>], vector<16xf32>,
      %mul3A_172 = arith.constant 8 : i32
      %mul3A_173 = arith.muli %scan3A_156, %mul3A_172 : i32
      %add3A_174 = arith.constant 2 : i32
      %add3A_175 = arith.addi %mul3A_173, %add3A_174 : i32
      %mul3A_176 = arith.constant 16 : i32
      %mul3A_177 = arith.muli %add3A_175, %mul3A_176 : i32
      %get3A_178 = arith.index_cast %mul3A_177 : i32 to index
      %get3A_179 = tpu.vector_load %arg4[%get3A_178] {strides = array<i32>} : memref<2048xi32, #tpu.memory_space<vmem>>, vector<16xi32>,
      tpu.vector_store_idx %arg6[%get3A_179], %broadcast_in_dim3A_3 {add = true} : memref<64xf32, #tpu.memory_space<vmem>>[vector<16xi32>], vector<16xf32>,
      %mul3A_180 = arith.constant 8 : i32
      %mul3A_181 = arith.muli %scan3A_156, %mul3A_180 : i32
      %add3A_182 = arith.constant 3 : i32
      %add3A_183 = arith.addi %mul3A_181, %add3A_182 : i32
      %mul3A_184 = arith.constant 16 : i32
      %mul3A_185 = arith.muli %add3A_183, %mul3A_184 : i32
      %get3A_186 = arith.index_cast %mul3A_185 : i32 to index
      %get3A_187 = tpu.vector_load %arg4[%get3A_186] {strides = array<i32>} : memref<2048xi32, #tpu.memory_space<vmem>>, vector<16xi32>,
      tpu.vector_store_idx %arg6[%get3A_187], %broadcast_in_dim3A_3 {add = true} : memref<64xf32, #tpu.memory_space<vmem>>[vector<16xi32>], vector<16xf32>,
      %mul3A_188 = arith.constant 8 : i32
      %mul3A_189 = arith.muli %scan3A_156, %mul3A_188 : i32
      %add3A_190 = arith.constant 4 : i32
      %add3A_191 = arith.addi %mul3A_189, %add3A_190 : i32
      %mul3A_192 = arith.constant 16 : i32
      %mul3A_193 = arith.muli %add3A_191, %mul3A_192 : i32
      %get3A_194 = arith.index_cast %mul3A_193 : i32 to index
      %get3A_195 = tpu.vector_load %arg4[%get3A_194] {strides = array<i32>} : memref<2048xi32, #tpu.memory_space<vmem>>, vector<16xi32>,
      tpu.vector_store_idx %arg6[%get3A_195], %broadcast_in_dim3A_3 {add = true} : memref<64xf32, #tpu.memory_space<vmem>>[vector<16xi32>], vector<16xf32>,
      %mul3A_196 = arith.constant 8 : i32
      %mul3A_197 = arith.muli %scan3A_156, %mul3A_196 : i32
      %add3A_198 = arith.constant 5 : i32
      %add3A_199 = arith.addi %mul3A_197, %add3A_198 : i32
      %mul3A_200 = arith.constant 16 : i32
      %mul3A_201 = arith.muli %add3A_199, %mul3A_200 : i32
      %get3A_202 = arith.index_cast %mul3A_201 : i32 to index
      %get3A_203 = tpu.vector_load %arg4[%get3A_202] {strides = array<i32>} : memref<2048xi32, #tpu.memory_space<vmem>>, vector<16xi32>,
      tpu.vector_store_idx %arg6[%get3A_203], %broadcast_in_dim3A_3 {add = true} : memref<64xf32, #tpu.memory_space<vmem>>[vector<16xi32>], vector<16xf32>,
      %mul3A_204 = arith.constant 8 : i32
      %mul3A_205 = arith.muli %scan3A_156, %mul3A_204 : i32
      %add3A_206 = arith.constant 6 : i32
      %add3A_207 = arith.addi %mul3A_205, %add3A_206 : i32
      %mul3A_208 = arith.constant 16 : i32
      %mul3A_209 = arith.muli %add3A_207, %mul3A_208 : i32
      %get3A_210 = arith.index_cast %mul3A_209 : i32 to index
      %get3A_211 = tpu.vector_load %arg4[%get3A_210] {strides = array<i32>} : memref<2048xi32, #tpu.memory_space<vmem>>, vector<16xi32>,
      tpu.vector_store_idx %arg6[%get3A_211], %broadcast_in_dim3A_3 {add = true} : memref<64xf32, #tpu.memory_space<vmem>>[vector<16xi32>], vector<16xf32>,
      %mul3A_212 = arith.constant 8 : i32
      %mul3A_213 = arith.muli %scan3A_156, %mul3A_212 : i32
      %add3A_214 = arith.constant 7 : i32
      %add3A_215 = arith.addi %mul3A_213, %add3A_214 : i32
      %mul3A_216 = arith.constant 16 : i32
      %mul3A_217 = arith.muli %add3A_215, %mul3A_216 : i32
      %get3A_218 = arith.index_cast %mul3A_217 : i32 to index
      %get3A_219 = tpu.vector_load %arg4[%get3A_218] {strides = array<i32>} : memref<2048xi32, #tpu.memory_space<vmem>>, vector<16xi32>,
      tpu.vector_store_idx %arg6[%get3A_219], %broadcast_in_dim3A_3 {add = true} : memref<64xf32, #tpu.memory_space<vmem>>[vector<16xi32>], vector<16xf32>,
    }
    %scan3A_43 = arith.constant 16 : i32
    %add3A_44 = arith.constant 0 : i32
    %add3A_45 = arith.addi %mul3A_2, %add3A_44 : i32
    "tpu.region"() ({
      %run_scoped3A = tpu.sem_alloc : memref<!tpu.dma_semaphore, #tpu.memory_space<semaphore_mem>>
      %dma_start3A_156 = arith.constant 0 : i32
      %dma_start3A_157 = tpu.memref_slice %arg3[%add3A_45, %dma_start3A_156] : memref<128x64xf32, #tpu.memory_space<hbm>> -> memref<1x64xf32, #tpu.memory_space<hbm>>
      %dma_start3A_158 = tpu.memref_squeeze %dma_start3A_157 : memref<1x64xf32, #tpu.memory_space<hbm>> -> memref<64xf32, #tpu.memory_space<hbm>>
      %dma_start3A_159 = arith.constant 0 : i32
      %dma_start3A_160 = tpu.memref_slice %arg3[%add3A_45, %dma_start3A_159] : memref<128x64xf32, #tpu.memory_space<hbm>> -> memref<1x64xf32, #tpu.memory_space<hbm>>
      %dma_start3A_161 = tpu.memref_squeeze %dma_start3A_160 : memref<1x64xf32, #tpu.memory_space<hbm>> -> memref<64xf32, #tpu.memory_space<hbm>>
      tpu.enqueue_dma source(%arg6 : memref<64xf32, #tpu.memory_space<vmem>>) target(%dma_start3A_161 : memref<64xf32, #tpu.memory_space<hbm>>) target_semaphore(%run_scoped3A : memref<!tpu.dma_semaphore, #tpu.memory_space<semaphore_mem>>)
      %dma_wait3A_162 = arith.constant 0 : i32
      %dma_wait3A_163 = tpu.memref_slice %arg3[%add3A_45, %dma_wait3A_162] : memref<128x64xf32, #tpu.memory_space<hbm>> -> memref<1x64xf32, #tpu.memory_space<hbm>>
      %dma_wait3A_164 = tpu.memref_squeeze %dma_wait3A_163 : memref<1x64xf32, #tpu.memory_space<hbm>> -> memref<64xf32, #tpu.memory_space<hbm>>
      %dma_wait3A_165 = arith.constant 0 : i32
      %dma_wait3A_166 = tpu.memref_slice %arg3[%add3A_45, %dma_wait3A_165] : memref<128x64xf32, #tpu.memory_space<hbm>> -> memref<1x64xf32, #tpu.memory_space<hbm>>
      %dma_wait3A_167 = tpu.memref_squeeze %dma_wait3A_166 : memref<1x64xf32, #tpu.memory_space<hbm>> -> memref<64xf32, #tpu.memory_space<hbm>>
      tpu.wait_dma2 semaphore(%run_scoped3A : memref<!tpu.dma_semaphore, #tpu.memory_space<semaphore_mem>>) src(%arg6 : memref<64xf32, #tpu.memory_space<vmem>>) dst(%dma_wait3A_167 : memref<64xf32, #tpu.memory_space<hbm>>)
      tpu.yield
    }) : () -> ()
    %dma_wait3A_46 = arith.constant 0 : i32
    %dma_wait3A_47 = tpu.memref_slice %arg2[%add3A_17, %dma_wait3A_46] : memref<128x2048xi32, #tpu.memory_space<hbm>> -> memref<1x2048xi32, #tpu.memory_space<hbm>>
    %dma_wait3A_48 = tpu.memref_squeeze %dma_wait3A_47 : memref<1x2048xi32, #tpu.memory_space<hbm>> -> memref<2048xi32, #tpu.memory_space<hbm>>
    %dma_wait3A_49 = arith.constant 0 : i32
    %dma_wait3A_50 = tpu.memref_slice %arg2[%add3A_17, %dma_wait3A_49] : memref<128x2048xi32, #tpu.memory_space<hbm>> -> memref<1x2048xi32, #tpu.memory_space<hbm>>
    %dma_wait3A_51 = tpu.memref_squeeze %dma_wait3A_50 : memref<1x2048xi32, #tpu.memory_space<hbm>> -> memref<2048xi32, #tpu.memory_space<hbm>>
    tpu.wait_dma2 semaphore(%arg8 : memref<!tpu.dma_semaphore, #tpu.memory_space<semaphore_mem>>) src(%dma_wait3A_51 : memref<2048xi32, #tpu.memory_space<hbm>>) dst(%arg5 : memref<2048xi32, #tpu.memory_space<vmem>>)
    %add3A_52 = arith.constant 1 : i32
    %add3A_53 = arith.addi %mul3A_2, %add3A_52 : i32
    %add3A_54 = arith.constant 1 : i32
    %add3A_55 = arith.addi %add3A_53, %add3A_54 : i32
    %dma_start3A_56 = arith.constant 0 : i32
    %dma_start3A_57 = tpu.memref_slice %arg2[%add3A_55, %dma_start3A_56] : memref<128x2048xi32, #tpu.memory_space<hbm>> -> memref<1x2048xi32, #tpu.memory_space<hbm>>
    %dma_start3A_58 = tpu.memref_squeeze %dma_start3A_57 : memref<1x2048xi32, #tpu.memory_space<hbm>> -> memref<2048xi32, #tpu.memory_space<hbm>>
    %dma_start3A_59 = arith.constant 0 : i32
    %dma_start3A_60 = tpu.memref_slice %arg2[%add3A_55, %dma_start3A_59] : memref<128x2048xi32, #tpu.memory_space<hbm>> -> memref<1x2048xi32, #tpu.memory_space<hbm>>
    %dma_start3A_61 = tpu.memref_squeeze %dma_start3A_60 : memref<1x2048xi32, #tpu.memory_space<hbm>> -> memref<2048xi32, #tpu.memory_space<hbm>>
    tpu.enqueue_dma source(%dma_start3A_61 : memref<2048xi32, #tpu.memory_space<hbm>>) target(%arg4 : memref<2048xi32, #tpu.memory_space<vmem>>) target_semaphore(%arg7 : memref<!tpu.dma_semaphore, #tpu.memory_space<semaphore_mem>>)
    %broadcast_in_dim3A_62 = arith.constant 0.000000e+00 : f32
    %broadcast_in_dim3A_63 = vector.broadcast %broadcast_in_dim3A_62 : f32 to vector<16xf32>
    %swap3A_64 = arith.constant 0 : index
    %swap3A_65 = tpu.vector_load %arg6[%swap3A_64] {strides = array<i32>} : memref<64xf32, #tpu.memory_space<vmem>>, vector<16xf32>,
    tpu.vector_store %arg6[%swap3A_64], %broadcast_in_dim3A_63 {strides = array<i32>} : memref<64xf32, #tpu.memory_space<vmem>>, vector<16xf32>,
    %broadcast_in_dim3A_66 = arith.constant 0.000000e+00 : f32
    %broadcast_in_dim3A_67 = vector.broadcast %broadcast_in_dim3A_66 : f32 to vector<16xf32>
    %swap3A_68 = arith.constant 16 : index
    %swap3A_69 = tpu.vector_load %arg6[%swap3A_68] {strides = array<i32>} : memref<64xf32, #tpu.memory_space<vmem>>, vector<16xf32>,
    tpu.vector_store %arg6[%swap3A_68], %broadcast_in_dim3A_67 {strides = array<i32>} : memref<64xf32, #tpu.memory_space<vmem>>, vector<16xf32>,
    %broadcast_in_dim3A_70 = arith.constant 0.000000e+00 : f32
    %broadcast_in_dim3A_71 = vector.broadcast %broadcast_in_dim3A_70 : f32 to vector<16xf32>
    %swap3A_72 = arith.constant 32 : index
    %swap3A_73 = tpu.vector_load %arg6[%swap3A_72] {strides = array<i32>} : memref<64xf32, #tpu.memory_space<vmem>>, vector<16xf32>,
    tpu.vector_store %arg6[%swap3A_72], %broadcast_in_dim3A_71 {strides = array<i32>} : memref<64xf32, #tpu.memory_space<vmem>>, vector<16xf32>,
    %broadcast_in_dim3A_74 = arith.constant 0.000000e+00 : f32
    %broadcast_in_dim3A_75 = vector.broadcast %broadcast_in_dim3A_74 : f32 to vector<16xf32>
    %swap3A_76 = arith.constant 48 : index
    %swap3A_77 = tpu.vector_load %arg6[%swap3A_76] {strides = array<i32>} : memref<64xf32, #tpu.memory_space<vmem>>, vector<16xf32>,
    tpu.vector_store %arg6[%swap3A_76], %broadcast_in_dim3A_75 {strides = array<i32>} : memref<64xf32, #tpu.memory_space<vmem>>, vector<16xf32>,
    %scan3A_78 = arith.constant 0 : i32
    %scan3A_79 = arith.constant 0 : i32
    %scan3A_80 = arith.constant 16 : i32
    %scan3A_81 = arith.addi %scan3A_79, %scan3A_80 : i32
    %scan3A_82 = arith.constant 1 : i32
    scf.for %scan3A_156 = %scan3A_79 to %scan3A_81 step %scan3A_82  : i32 {
      %mul3A_157 = arith.constant 8 : i32
      %mul3A_158 = arith.muli %scan3A_156, %mul3A_157 : i32
      %add3A_159 = arith.constant 0 : i32
      %add3A_160 = arith.addi %mul3A_158, %add3A_159 : i32
      %mul3A_161 = arith.constant 16 : i32
      %mul3A_162 = arith.muli %add3A_160, %mul3A_161 : i32
      %get3A = arith.index_cast %mul3A_162 : i32 to index
      %get3A_163 = tpu.vector_load %arg5[%get3A] {strides = array<i32>} : memref<2048xi32, #tpu.memory_space<vmem>>, vector<16xi32>,
      tpu.vector_store_idx %arg6[%get3A_163], %broadcast_in_dim3A_3 {add = true} : memref<64xf32, #tpu.memory_space<vmem>>[vector<16xi32>], vector<16xf32>,
      %mul3A_164 = arith.constant 8 : i32
      %mul3A_165 = arith.muli %scan3A_156, %mul3A_164 : i32
      %add3A_166 = arith.constant 1 : i32
      %add3A_167 = arith.addi %mul3A_165, %add3A_166 : i32
      %mul3A_168 = arith.constant 16 : i32
      %mul3A_169 = arith.muli %add3A_167, %mul3A_168 : i32
      %get3A_170 = arith.index_cast %mul3A_169 : i32 to index
      %get3A_171 = tpu.vector_load %arg5[%get3A_170] {strides = array<i32>} : memref<2048xi32, #tpu.memory_space<vmem>>, vector<16xi32>,
      tpu.vector_store_idx %arg6[%get3A_171], %broadcast_in_dim3A_3 {add = true} : memref<64xf32, #tpu.memory_space<vmem>>[vector<16xi32>], vector<16xf32>,
      %mul3A_172 = arith.constant 8 : i32
      %mul3A_173 = arith.muli %scan3A_156, %mul3A_172 : i32
      %add3A_174 = arith.constant 2 : i32
      %add3A_175 = arith.addi %mul3A_173, %add3A_174 : i32
      %mul3A_176 = arith.constant 16 : i32
      %mul3A_177 = arith.muli %add3A_175, %mul3A_176 : i32
      %get3A_178 = arith.index_cast %mul3A_177 : i32 to index
      %get3A_179 = tpu.vector_load %arg5[%get3A_178] {strides = array<i32>} : memref<2048xi32, #tpu.memory_space<vmem>>, vector<16xi32>,
      tpu.vector_store_idx %arg6[%get3A_179], %broadcast_in_dim3A_3 {add = true} : memref<64xf32, #tpu.memory_space<vmem>>[vector<16xi32>], vector<16xf32>,
      %mul3A_180 = arith.constant 8 : i32
      %mul3A_181 = arith.muli %scan3A_156, %mul3A_180 : i32
      %add3A_182 = arith.constant 3 : i32
      %add3A_183 = arith.addi %mul3A_181, %add3A_182 : i32
      %mul3A_184 = arith.constant 16 : i32
      %mul3A_185 = arith.muli %add3A_183, %mul3A_184 : i32
      %get3A_186 = arith.index_cast %mul3A_185 : i32 to index
      %get3A_187 = tpu.vector_load %arg5[%get3A_186] {strides = array<i32>} : memref<2048xi32, #tpu.memory_space<vmem>>, vector<16xi32>,
      tpu.vector_store_idx %arg6[%get3A_187], %broadcast_in_dim3A_3 {add = true} : memref<64xf32, #tpu.memory_space<vmem>>[vector<16xi32>], vector<16xf32>,
      %mul3A_188 = arith.constant 8 : i32
      %mul3A_189 = arith.muli %scan3A_156, %mul3A_188 : i32
      %add3A_190 = arith.constant 4 : i32
      %add3A_191 = arith.addi %mul3A_189, %add3A_190 : i32
      %mul3A_192 = arith.constant 16 : i32
      %mul3A_193 = arith.muli %add3A_191, %mul3A_192 : i32
      %get3A_194 = arith.index_cast %mul3A_193 : i32 to index
      %get3A_195 = tpu.vector_load %arg5[%get3A_194] {strides = array<i32>} : memref<2048xi32, #tpu.memory_space<vmem>>, vector<16xi32>,
      tpu.vector_store_idx %arg6[%get3A_195], %broadcast_in_dim3A_3 {add = true} : memref<64xf32, #tpu.memory_space<vmem>>[vector<16xi32>], vector<16xf32>,
      %mul3A_196 = arith.constant 8 : i32
      %mul3A_197 = arith.muli %scan3A_156, %mul3A_196 : i32
      %add3A_198 = arith.constant 5 : i32
      %add3A_199 = arith.addi %mul3A_197, %add3A_198 : i32
      %mul3A_200 = arith.constant 16 : i32
      %mul3A_201 = arith.muli %add3A_199, %mul3A_200 : i32
      %get3A_202 = arith.index_cast %mul3A_201 : i32 to index
      %get3A_203 = tpu.vector_load %arg5[%get3A_202] {strides = array<i32>} : memref<2048xi32, #tpu.memory_space<vmem>>, vector<16xi32>,
      tpu.vector_store_idx %arg6[%get3A_203], %broadcast_in_dim3A_3 {add = true} : memref<64xf32, #tpu.memory_space<vmem>>[vector<16xi32>], vector<16xf32>,
      %mul3A_204 = arith.constant 8 : i32
      %mul3A_205 = arith.muli %scan3A_156, %mul3A_204 : i32
      %add3A_206 = arith.constant 6 : i32
      %add3A_207 = arith.addi %mul3A_205, %add3A_206 : i32
      %mul3A_208 = arith.constant 16 : i32
      %mul3A_209 = arith.muli %add3A_207, %mul3A_208 : i32
      %get3A_210 = arith.index_cast %mul3A_209 : i32 to index
      %get3A_211 = tpu.vector_load %arg5[%get3A_210] {strides = array<i32>} : memref<2048xi32, #tpu.memory_space<vmem>>, vector<16xi32>,
      tpu.vector_store_idx %arg6[%get3A_211], %broadcast_in_dim3A_3 {add = true} : memref<64xf32, #tpu.memory_space<vmem>>[vector<16xi32>], vector<16xf32>,
      %mul3A_212 = arith.constant 8 : i32
      %mul3A_213 = arith.muli %scan3A_156, %mul3A_212 : i32
      %add3A_214 = arith.constant 7 : i32
      %add3A_215 = arith.addi %mul3A_213, %add3A_214 : i32
      %mul3A_216 = arith.constant 16 : i32
      %mul3A_217 = arith.muli %add3A_215, %mul3A_216 : i32
      %get3A_218 = arith.index_cast %mul3A_217 : i32 to index
      %get3A_219 = tpu.vector_load %arg5[%get3A_218] {strides = array<i32>} : memref<2048xi32, #tpu.memory_space<vmem>>, vector<16xi32>,
      tpu.vector_store_idx %arg6[%get3A_219], %broadcast_in_dim3A_3 {add = true} : memref<64xf32, #tpu.memory_space<vmem>>[vector<16xi32>], vector<16xf32>,
    }
    %scan3A_83 = arith.constant 16 : i32
    %add3A_84 = arith.constant 1 : i32
    %add3A_85 = arith.addi %mul3A_2, %add3A_84 : i32
    "tpu.region"() ({
      %run_scoped3A = tpu.sem_alloc : memref<!tpu.dma_semaphore, #tpu.memory_space<semaphore_mem>>
      %dma_start3A_156 = arith.constant 0 : i32
      %dma_start3A_157 = tpu.memref_slice %arg3[%add3A_85, %dma_start3A_156] : memref<128x64xf32, #tpu.memory_space<hbm>> -> memref<1x64xf32, #tpu.memory_space<hbm>>
      %dma_start3A_158 = tpu.memref_squeeze %dma_start3A_157 : memref<1x64xf32, #tpu.memory_space<hbm>> -> memref<64xf32, #tpu.memory_space<hbm>>
      %dma_start3A_159 = arith.constant 0 : i32
      %dma_start3A_160 = tpu.memref_slice %arg3[%add3A_85, %dma_start3A_159] : memref<128x64xf32, #tpu.memory_space<hbm>> -> memref<1x64xf32, #tpu.memory_space<hbm>>
      %dma_start3A_161 = tpu.memref_squeeze %dma_start3A_160 : memref<1x64xf32, #tpu.memory_space<hbm>> -> memref<64xf32, #tpu.memory_space<hbm>>
      tpu.enqueue_dma source(%arg6 : memref<64xf32, #tpu.memory_space<vmem>>) target(%dma_start3A_161 : memref<64xf32, #tpu.memory_space<hbm>>) target_semaphore(%run_scoped3A : memref<!tpu.dma_semaphore, #tpu.memory_space<semaphore_mem>>)
      %dma_wait3A_162 = arith.constant 0 : i32
      %dma_wait3A_163 = tpu.memref_slice %arg3[%add3A_85, %dma_wait3A_162] : memref<128x64xf32, #tpu.memory_space<hbm>> -> memref<1x64xf32, #tpu.memory_space<hbm>>
      %dma_wait3A_164 = tpu.memref_squeeze %dma_wait3A_163 : memref<1x64xf32, #tpu.memory_space<hbm>> -> memref<64xf32, #tpu.memory_space<hbm>>
      %dma_wait3A_165 = arith.constant 0 : i32
      %dma_wait3A_166 = tpu.memref_slice %arg3[%add3A_85, %dma_wait3A_165] : memref<128x64xf32, #tpu.memory_space<hbm>> -> memref<1x64xf32, #tpu.memory_space<hbm>>
      %dma_wait3A_167 = tpu.memref_squeeze %dma_wait3A_166 : memref<1x64xf32, #tpu.memory_space<hbm>> -> memref<64xf32, #tpu.memory_space<hbm>>
      tpu.wait_dma2 semaphore(%run_scoped3A : memref<!tpu.dma_semaphore, #tpu.memory_space<semaphore_mem>>) src(%arg6 : memref<64xf32, #tpu.memory_space<vmem>>) dst(%dma_wait3A_167 : memref<64xf32, #tpu.memory_space<hbm>>)
      tpu.yield
    }) : () -> ()
    %dma_wait3A_86 = arith.constant 0 : i32
    %dma_wait3A_87 = tpu.memref_slice %arg2[%add3A_55, %dma_wait3A_86] : memref<128x2048xi32, #tpu.memory_space<hbm>> -> memref<1x2048xi32, #tpu.memory_space<hbm>>
    %dma_wait3A_88 = tpu.memref_squeeze %dma_wait3A_87 : memref<1x2048xi32, #tpu.memory_space<hbm>> -> memref<2048xi32, #tpu.memory_space<hbm>>
    %dma_wait3A_89 = arith.constant 0 : i32
    %dma_wait3A_90 = tpu.memref_slice %arg2[%add3A_55, %dma_wait3A_89] : memref<128x2048xi32, #tpu.memory_space<hbm>> -> memref<1x2048xi32, #tpu.memory_space<hbm>>
    %dma_wait3A_91 = tpu.memref_squeeze %dma_wait3A_90 : memref<1x2048xi32, #tpu.memory_space<hbm>> -> memref<2048xi32, #tpu.memory_space<hbm>>
    tpu.wait_dma2 semaphore(%arg7 : memref<!tpu.dma_semaphore, #tpu.memory_space<semaphore_mem>>) src(%dma_wait3A_91 : memref<2048xi32, #tpu.memory_space<hbm>>) dst(%arg4 : memref<2048xi32, #tpu.memory_space<vmem>>)
    %add3A_92 = arith.constant 2 : i32
    %add3A_93 = arith.addi %mul3A_2, %add3A_92 : i32
    %add3A_94 = arith.constant 1 : i32
    %add3A_95 = arith.addi %add3A_93, %add3A_94 : i32
    %dma_start3A_96 = arith.constant 0 : i32
    %dma_start3A_97 = tpu.memref_slice %arg2[%add3A_95, %dma_start3A_96] : memref<128x2048xi32, #tpu.memory_space<hbm>> -> memref<1x2048xi32, #tpu.memory_space<hbm>>
    %dma_start3A_98 = tpu.memref_squeeze %dma_start3A_97 : memref<1x2048xi32, #tpu.memory_space<hbm>> -> memref<2048xi32, #tpu.memory_space<hbm>>
    %dma_start3A_99 = arith.constant 0 : i32
    %dma_start3A_100 = tpu.memref_slice %arg2[%add3A_95, %dma_start3A_99] : memref<128x2048xi32, #tpu.memory_space<hbm>> -> memref<1x2048xi32, #tpu.memory_space<hbm>>
    %dma_start3A_101 = tpu.memref_squeeze %dma_start3A_100 : memref<1x2048xi32, #tpu.memory_space<hbm>> -> memref<2048xi32, #tpu.memory_space<hbm>>
    tpu.enqueue_dma source(%dma_start3A_101 : memref<2048xi32, #tpu.memory_space<hbm>>) target(%arg5 : memref<2048xi32, #tpu.memory_space<vmem>>) target_semaphore(%arg8 : memref<!tpu.dma_semaphore, #tpu.memory_space<semaphore_mem>>)
    %broadcast_in_dim3A_102 = arith.constant 0.000000e+00 : f32
    %broadcast_in_dim3A_103 = vector.broadcast %broadcast_in_dim3A_102 : f32 to vector<16xf32>
    %swap3A_104 = arith.constant 0 : index
    %swap3A_105 = tpu.vector_load %arg6[%swap3A_104] {strides = array<i32>} : memref<64xf32, #tpu.memory_space<vmem>>, vector<16xf32>,
    tpu.vector_store %arg6[%swap3A_104], %broadcast_in_dim3A_103 {strides = array<i32>} : memref<64xf32, #tpu.memory_space<vmem>>, vector<16xf32>,
    %broadcast_in_dim3A_106 = arith.constant 0.000000e+00 : f32
    %broadcast_in_dim3A_107 = vector.broadcast %broadcast_in_dim3A_106 : f32 to vector<16xf32>
    %swap3A_108 = arith.constant 16 : index
    %swap3A_109 = tpu.vector_load %arg6[%swap3A_108] {strides = array<i32>} : memref<64xf32, #tpu.memory_space<vmem>>, vector<16xf32>,
    tpu.vector_store %arg6[%swap3A_108], %broadcast_in_dim3A_107 {strides = array<i32>} : memref<64xf32, #tpu.memory_space<vmem>>, vector<16xf32>,
    %broadcast_in_dim3A_110 = arith.constant 0.000000e+00 : f32
    %broadcast_in_dim3A_111 = vector.broadcast %broadcast_in_dim3A_110 : f32 to vector<16xf32>
    %swap3A_112 = arith.constant 32 : index
    %swap3A_113 = tpu.vector_load %arg6[%swap3A_112] {strides = array<i32>} : memref<64xf32, #tpu.memory_space<vmem>>, vector<16xf32>,
    tpu.vector_store %arg6[%swap3A_112], %broadcast_in_dim3A_111 {strides = array<i32>} : memref<64xf32, #tpu.memory_space<vmem>>, vector<16xf32>,
    %broadcast_in_dim3A_114 = arith.constant 0.000000e+00 : f32
    %broadcast_in_dim3A_115 = vector.broadcast %broadcast_in_dim3A_114 : f32 to vector<16xf32>
    %swap3A_116 = arith.constant 48 : index
    %swap3A_117 = tpu.vector_load %arg6[%swap3A_116] {strides = array<i32>} : memref<64xf32, #tpu.memory_space<vmem>>, vector<16xf32>,
    tpu.vector_store %arg6[%swap3A_116], %broadcast_in_dim3A_115 {strides = array<i32>} : memref<64xf32, #tpu.memory_space<vmem>>, vector<16xf32>,
    %scan3A_118 = arith.constant 0 : i32
    %scan3A_119 = arith.constant 0 : i32
    %scan3A_120 = arith.constant 16 : i32
    %scan3A_121 = arith.addi %scan3A_119, %scan3A_120 : i32
    %scan3A_122 = arith.constant 1 : i32
    scf.for %scan3A_156 = %scan3A_119 to %scan3A_121 step %scan3A_122  : i32 {
      %mul3A_157 = arith.constant 8 : i32
      %mul3A_158 = arith.muli %scan3A_156, %mul3A_157 : i32
      %add3A_159 = arith.constant 0 : i32
      %add3A_160 = arith.addi %mul3A_158, %add3A_159 : i32
      %mul3A_161 = arith.constant 16 : i32
      %mul3A_162 = arith.muli %add3A_160, %mul3A_161 : i32
      %get3A = arith.index_cast %mul3A_162 : i32 to index
      %get3A_163 = tpu.vector_load %arg4[%get3A] {strides = array<i32>} : memref<2048xi32, #tpu.memory_space<vmem>>, vector<16xi32>,
      tpu.vector_store_idx %arg6[%get3A_163], %broadcast_in_dim3A_3 {add = true} : memref<64xf32, #tpu.memory_space<vmem>>[vector<16xi32>], vector<16xf32>,
      %mul3A_164 = arith.constant 8 : i32
      %mul3A_165 = arith.muli %scan3A_156, %mul3A_164 : i32
      %add3A_166 = arith.constant 1 : i32
      %add3A_167 = arith.addi %mul3A_165, %add3A_166 : i32
      %mul3A_168 = arith.constant 16 : i32
      %mul3A_169 = arith.muli %add3A_167, %mul3A_168 : i32
      %get3A_170 = arith.index_cast %mul3A_169 : i32 to index
      %get3A_171 = tpu.vector_load %arg4[%get3A_170] {strides = array<i32>} : memref<2048xi32, #tpu.memory_space<vmem>>, vector<16xi32>,
      tpu.vector_store_idx %arg6[%get3A_171], %broadcast_in_dim3A_3 {add = true} : memref<64xf32, #tpu.memory_space<vmem>>[vector<16xi32>], vector<16xf32>,
      %mul3A_172 = arith.constant 8 : i32
      %mul3A_173 = arith.muli %scan3A_156, %mul3A_172 : i32
      %add3A_174 = arith.constant 2 : i32
      %add3A_175 = arith.addi %mul3A_173, %add3A_174 : i32
      %mul3A_176 = arith.constant 16 : i32
      %mul3A_177 = arith.muli %add3A_175, %mul3A_176 : i32
      %get3A_178 = arith.index_cast %mul3A_177 : i32 to index
      %get3A_179 = tpu.vector_load %arg4[%get3A_178] {strides = array<i32>} : memref<2048xi32, #tpu.memory_space<vmem>>, vector<16xi32>,
      tpu.vector_store_idx %arg6[%get3A_179], %broadcast_in_dim3A_3 {add = true} : memref<64xf32, #tpu.memory_space<vmem>>[vector<16xi32>], vector<16xf32>,
      %mul3A_180 = arith.constant 8 : i32
      %mul3A_181 = arith.muli %scan3A_156, %mul3A_180 : i32
      %add3A_182 = arith.constant 3 : i32
      %add3A_183 = arith.addi %mul3A_181, %add3A_182 : i32
      %mul3A_184 = arith.constant 16 : i32
      %mul3A_185 = arith.muli %add3A_183, %mul3A_184 : i32
      %get3A_186 = arith.index_cast %mul3A_185 : i32 to index
      %get3A_187 = tpu.vector_load %arg4[%get3A_186] {strides = array<i32>} : memref<2048xi32, #tpu.memory_space<vmem>>, vector<16xi32>,
      tpu.vector_store_idx %arg6[%get3A_187], %broadcast_in_dim3A_3 {add = true} : memref<64xf32, #tpu.memory_space<vmem>>[vector<16xi32>], vector<16xf32>,
      %mul3A_188 = arith.constant 8 : i32
      %mul3A_189 = arith.muli %scan3A_156, %mul3A_188 : i32
      %add3A_190 = arith.constant 4 : i32
      %add3A_191 = arith.addi %mul3A_189, %add3A_190 : i32
      %mul3A_192 = arith.constant 16 : i32
      %mul3A_193 = arith.muli %add3A_191, %mul3A_192 : i32
      %get3A_194 = arith.index_cast %mul3A_193 : i32 to index
      %get3A_195 = tpu.vector_load %arg4[%get3A_194] {strides = array<i32>} : memref<2048xi32, #tpu.memory_space<vmem>>, vector<16xi32>,
      tpu.vector_store_idx %arg6[%get3A_195], %broadcast_in_dim3A_3 {add = true} : memref<64xf32, #tpu.memory_space<vmem>>[vector<16xi32>], vector<16xf32>,
      %mul3A_196 = arith.constant 8 : i32
      %mul3A_197 = arith.muli %scan3A_156, %mul3A_196 : i32
      %add3A_198 = arith.constant 5 : i32
      %add3A_199 = arith.addi %mul3A_197, %add3A_198 : i32
      %mul3A_200 = arith.constant 16 : i32
      %mul3A_201 = arith.muli %add3A_199, %mul3A_200 : i32
      %get3A_202 = arith.index_cast %mul3A_201 : i32 to index
      %get3A_203 = tpu.vector_load %arg4[%get3A_202] {strides = array<i32>} : memref<2048xi32, #tpu.memory_space<vmem>>, vector<16xi32>,
      tpu.vector_store_idx %arg6[%get3A_203], %broadcast_in_dim3A_3 {add = true} : memref<64xf32, #tpu.memory_space<vmem>>[vector<16xi32>], vector<16xf32>,
      %mul3A_204 = arith.constant 8 : i32
      %mul3A_205 = arith.muli %scan3A_156, %mul3A_204 : i32
      %add3A_206 = arith.constant 6 : i32
      %add3A_207 = arith.addi %mul3A_205, %add3A_206 : i32
      %mul3A_208 = arith.constant 16 : i32
      %mul3A_209 = arith.muli %add3A_207, %mul3A_208 : i32
      %get3A_210 = arith.index_cast %mul3A_209 : i32 to index
      %get3A_211 = tpu.vector_load %arg4[%get3A_210] {strides = array<i32>} : memref<2048xi32, #tpu.memory_space<vmem>>, vector<16xi32>,
      tpu.vector_store_idx %arg6[%get3A_211], %broadcast_in_dim3A_3 {add = true} : memref<64xf32, #tpu.memory_space<vmem>>[vector<16xi32>], vector<16xf32>,
      %mul3A_212 = arith.constant 8 : i32
      %mul3A_213 = arith.muli %scan3A_156, %mul3A_212 : i32
      %add3A_214 = arith.constant 7 : i32
      %add3A_215 = arith.addi %mul3A_213, %add3A_214 : i32
      %mul3A_216 = arith.constant 16 : i32
      %mul3A_217 = arith.muli %add3A_215, %mul3A_216 : i32
      %get3A_218 = arith.index_cast %mul3A_217 : i32 to index
      %get3A_219 = tpu.vector_load %arg4[%get3A_218] {strides = array<i32>} : memref<2048xi32, #tpu.memory_space<vmem>>, vector<16xi32>,
      tpu.vector_store_idx %arg6[%get3A_219], %broadcast_in_dim3A_3 {add = true} : memref<64xf32, #tpu.memory_space<vmem>>[vector<16xi32>], vector<16xf32>,
    }
    %scan3A_123 = arith.constant 16 : i32
    %add3A_124 = arith.constant 2 : i32
    %add3A_125 = arith.addi %mul3A_2, %add3A_124 : i32
    "tpu.region"() ({
      %run_scoped3A = tpu.sem_alloc : memref<!tpu.dma_semaphore, #tpu.memory_space<semaphore_mem>>
      %dma_start3A_156 = arith.constant 0 : i32
      %dma_start3A_157 = tpu.memref_slice %arg3[%add3A_125, %dma_start3A_156] : memref<128x64xf32, #tpu.memory_space<hbm>> -> memref<1x64xf32, #tpu.memory_space<hbm>>
      %dma_start3A_158 = tpu.memref_squeeze %dma_start3A_157 : memref<1x64xf32, #tpu.memory_space<hbm>> -> memref<64xf32, #tpu.memory_space<hbm>>
      %dma_start3A_159 = arith.constant 0 : i32
      %dma_start3A_160 = tpu.memref_slice %arg3[%add3A_125, %dma_start3A_159] : memref<128x64xf32, #tpu.memory_space<hbm>> -> memref<1x64xf32, #tpu.memory_space<hbm>>
      %dma_start3A_161 = tpu.memref_squeeze %dma_start3A_160 : memref<1x64xf32, #tpu.memory_space<hbm>> -> memref<64xf32, #tpu.memory_space<hbm>>
      tpu.enqueue_dma source(%arg6 : memref<64xf32, #tpu.memory_space<vmem>>) target(%dma_start3A_161 : memref<64xf32, #tpu.memory_space<hbm>>) target_semaphore(%run_scoped3A : memref<!tpu.dma_semaphore, #tpu.memory_space<semaphore_mem>>)
      %dma_wait3A_162 = arith.constant 0 : i32
      %dma_wait3A_163 = tpu.memref_slice %arg3[%add3A_125, %dma_wait3A_162] : memref<128x64xf32, #tpu.memory_space<hbm>> -> memref<1x64xf32, #tpu.memory_space<hbm>>
      %dma_wait3A_164 = tpu.memref_squeeze %dma_wait3A_163 : memref<1x64xf32, #tpu.memory_space<hbm>> -> memref<64xf32, #tpu.memory_space<hbm>>
      %dma_wait3A_165 = arith.constant 0 : i32
      %dma_wait3A_166 = tpu.memref_slice %arg3[%add3A_125, %dma_wait3A_165] : memref<128x64xf32, #tpu.memory_space<hbm>> -> memref<1x64xf32, #tpu.memory_space<hbm>>
      %dma_wait3A_167 = tpu.memref_squeeze %dma_wait3A_166 : memref<1x64xf32, #tpu.memory_space<hbm>> -> memref<64xf32, #tpu.memory_space<hbm>>
      tpu.wait_dma2 semaphore(%run_scoped3A : memref<!tpu.dma_semaphore, #tpu.memory_space<semaphore_mem>>) src(%arg6 : memref<64xf32, #tpu.memory_space<vmem>>) dst(%dma_wait3A_167 : memref<64xf32, #tpu.memory_space<hbm>>)
      tpu.yield
    }) : () -> ()
    %dma_wait3A_126 = arith.constant 0 : i32
    %dma_wait3A_127 = tpu.memref_slice %arg2[%add3A_95, %dma_wait3A_126] : memref<128x2048xi32, #tpu.memory_space<hbm>> -> memref<1x2048xi32, #tpu.memory_space<hbm>>
    %dma_wait3A_128 = tpu.memref_squeeze %dma_wait3A_127 : memref<1x2048xi32, #tpu.memory_space<hbm>> -> memref<2048xi32, #tpu.memory_space<hbm>>
    %dma_wait3A_129 = arith.constant 0 : i32
    %dma_wait3A_130 = tpu.memref_slice %arg2[%add3A_95, %dma_wait3A_129] : memref<128x2048xi32, #tpu.memory_space<hbm>> -> memref<1x2048xi32, #tpu.memory_space<hbm>>
    %dma_wait3A_131 = tpu.memref_squeeze %dma_wait3A_130 : memref<1x2048xi32, #tpu.memory_space<hbm>> -> memref<2048xi32, #tpu.memory_space<hbm>>
    tpu.wait_dma2 semaphore(%arg8 : memref<!tpu.dma_semaphore, #tpu.memory_space<semaphore_mem>>) src(%dma_wait3A_131 : memref<2048xi32, #tpu.memory_space<hbm>>) dst(%arg5 : memref<2048xi32, #tpu.memory_space<vmem>>)
    %broadcast_in_dim3A_132 = arith.constant 0.000000e+00 : f32
    %broadcast_in_dim3A_133 = vector.broadcast %broadcast_in_dim3A_132 : f32 to vector<16xf32>
    %swap3A_134 = arith.constant 0 : index
    %swap3A_135 = tpu.vector_load %arg6[%swap3A_134] {strides = array<i32>} : memref<64xf32, #tpu.memory_space<vmem>>, vector<16xf32>,
    tpu.vector_store %arg6[%swap3A_134], %broadcast_in_dim3A_133 {strides = array<i32>} : memref<64xf32, #tpu.memory_space<vmem>>, vector<16xf32>,
    %broadcast_in_dim3A_136 = arith.constant 0.000000e+00 : f32
    %broadcast_in_dim3A_137 = vector.broadcast %broadcast_in_dim3A_136 : f32 to vector<16xf32>
    %swap3A_138 = arith.constant 16 : index
    %swap3A_139 = tpu.vector_load %arg6[%swap3A_138] {strides = array<i32>} : memref<64xf32, #tpu.memory_space<vmem>>, vector<16xf32>,
    tpu.vector_store %arg6[%swap3A_138], %broadcast_in_dim3A_137 {strides = array<i32>} : memref<64xf32, #tpu.memory_space<vmem>>, vector<16xf32>,
    %broadcast_in_dim3A_140 = arith.constant 0.000000e+00 : f32
    %broadcast_in_dim3A_141 = vector.broadcast %broadcast_in_dim3A_140 : f32 to vector<16xf32>
    %swap3A_142 = arith.constant 32 : index
    %swap3A_143 = tpu.vector_load %arg6[%swap3A_142] {strides = array<i32>} : memref<64xf32, #tpu.memory_space<vmem>>, vector<16xf32>,
    tpu.vector_store %arg6[%swap3A_142], %broadcast_in_dim3A_141 {strides = array<i32>} : memref<64xf32, #tpu.memory_space<vmem>>, vector<16xf32>,
    %broadcast_in_dim3A_144 = arith.constant 0.000000e+00 : f32
    %broadcast_in_dim3A_145 = vector.broadcast %broadcast_in_dim3A_144 : f32 to vector<16xf32>
    %swap3A_146 = arith.constant 48 : index
    %swap3A_147 = tpu.vector_load %arg6[%swap3A_146] {strides = array<i32>} : memref<64xf32, #tpu.memory_space<vmem>>, vector<16xf32>,
    tpu.vector_store %arg6[%swap3A_146], %broadcast_in_dim3A_145 {strides = array<i32>} : memref<64xf32, #tpu.memory_space<vmem>>, vector<16xf32>,
    %scan3A_148 = arith.constant 0 : i32
    %scan3A_149 = arith.constant 0 : i32
    %scan3A_150 = arith.constant 16 : i32
    %scan3A_151 = arith.addi %scan3A_149, %scan3A_150 : i32
    %scan3A_152 = arith.constant 1 : i32
    scf.for %scan3A_156 = %scan3A_149 to %scan3A_151 step %scan3A_152  : i32 {
      %mul3A_157 = arith.constant 8 : i32
      %mul3A_158 = arith.muli %scan3A_156, %mul3A_157 : i32
      %add3A_159 = arith.constant 0 : i32
      %add3A_160 = arith.addi %mul3A_158, %add3A_159 : i32
      %mul3A_161 = arith.constant 16 : i32
      %mul3A_162 = arith.muli %add3A_160, %mul3A_161 : i32
      %get3A = arith.index_cast %mul3A_162 : i32 to index
      %get3A_163 = tpu.vector_load %arg5[%get3A] {strides = array<i32>} : memref<2048xi32, #tpu.memory_space<vmem>>, vector<16xi32>,
      tpu.vector_store_idx %arg6[%get3A_163], %broadcast_in_dim3A_3 {add = true} : memref<64xf32, #tpu.memory_space<vmem>>[vector<16xi32>], vector<16xf32>,
      %mul3A_164 = arith.constant 8 : i32
      %mul3A_165 = arith.muli %scan3A_156, %mul3A_164 : i32
      %add3A_166 = arith.constant 1 : i32
      %add3A_167 = arith.addi %mul3A_165, %add3A_166 : i32
      %mul3A_168 = arith.constant 16 : i32
      %mul3A_169 = arith.muli %add3A_167, %mul3A_168 : i32
      %get3A_170 = arith.index_cast %mul3A_169 : i32 to index
      %get3A_171 = tpu.vector_load %arg5[%get3A_170] {strides = array<i32>} : memref<2048xi32, #tpu.memory_space<vmem>>, vector<16xi32>,
      tpu.vector_store_idx %arg6[%get3A_171], %broadcast_in_dim3A_3 {add = true} : memref<64xf32, #tpu.memory_space<vmem>>[vector<16xi32>], vector<16xf32>,
      %mul3A_172 = arith.constant 8 : i32
      %mul3A_173 = arith.muli %scan3A_156, %mul3A_172 : i32
      %add3A_174 = arith.constant 2 : i32
      %add3A_175 = arith.addi %mul3A_173, %add3A_174 : i32
      %mul3A_176 = arith.constant 16 : i32
      %mul3A_177 = arith.muli %add3A_175, %mul3A_176 : i32
      %get3A_178 = arith.index_cast %mul3A_177 : i32 to index
      %get3A_179 = tpu.vector_load %arg5[%get3A_178] {strides = array<i32>} : memref<2048xi32, #tpu.memory_space<vmem>>, vector<16xi32>,
      tpu.vector_store_idx %arg6[%get3A_179], %broadcast_in_dim3A_3 {add = true} : memref<64xf32, #tpu.memory_space<vmem>>[vector<16xi32>], vector<16xf32>,
      %mul3A_180 = arith.constant 8 : i32
      %mul3A_181 = arith.muli %scan3A_156, %mul3A_180 : i32
      %add3A_182 = arith.constant 3 : i32
      %add3A_183 = arith.addi %mul3A_181, %add3A_182 : i32
      %mul3A_184 = arith.constant 16 : i32
      %mul3A_185 = arith.muli %add3A_183, %mul3A_184 : i32
      %get3A_186 = arith.index_cast %mul3A_185 : i32 to index
      %get3A_187 = tpu.vector_load %arg5[%get3A_186] {strides = array<i32>} : memref<2048xi32, #tpu.memory_space<vmem>>, vector<16xi32>,
      tpu.vector_store_idx %arg6[%get3A_187], %broadcast_in_dim3A_3 {add = true} : memref<64xf32, #tpu.memory_space<vmem>>[vector<16xi32>], vector<16xf32>,
      %mul3A_188 = arith.constant 8 : i32
      %mul3A_189 = arith.muli %scan3A_156, %mul3A_188 : i32
      %add3A_190 = arith.constant 4 : i32
      %add3A_191 = arith.addi %mul3A_189, %add3A_190 : i32
      %mul3A_192 = arith.constant 16 : i32
      %mul3A_193 = arith.muli %add3A_191, %mul3A_192 : i32
      %get3A_194 = arith.index_cast %mul3A_193 : i32 to index
      %get3A_195 = tpu.vector_load %arg5[%get3A_194] {strides = array<i32>} : memref<2048xi32, #tpu.memory_space<vmem>>, vector<16xi32>,
      tpu.vector_store_idx %arg6[%get3A_195], %broadcast_in_dim3A_3 {add = true} : memref<64xf32, #tpu.memory_space<vmem>>[vector<16xi32>], vector<16xf32>,
      %mul3A_196 = arith.constant 8 : i32
      %mul3A_197 = arith.muli %scan3A_156, %mul3A_196 : i32
      %add3A_198 = arith.constant 5 : i32
      %add3A_199 = arith.addi %mul3A_197, %add3A_198 : i32
      %mul3A_200 = arith.constant 16 : i32
      %mul3A_201 = arith.muli %add3A_199, %mul3A_200 : i32
      %get3A_202 = arith.index_cast %mul3A_201 : i32 to index
      %get3A_203 = tpu.vector_load %arg5[%get3A_202] {strides = array<i32>} : memref<2048xi32, #tpu.memory_space<vmem>>, vector<16xi32>,
      tpu.vector_store_idx %arg6[%get3A_203], %broadcast_in_dim3A_3 {add = true} : memref<64xf32, #tpu.memory_space<vmem>>[vector<16xi32>], vector<16xf32>,
      %mul3A_204 = arith.constant 8 : i32
      %mul3A_205 = arith.muli %scan3A_156, %mul3A_204 : i32
      %add3A_206 = arith.constant 6 : i32
      %add3A_207 = arith.addi %mul3A_205, %add3A_206 : i32
      %mul3A_208 = arith.constant 16 : i32
      %mul3A_209 = arith.muli %add3A_207, %mul3A_208 : i32
      %get3A_210 = arith.index_cast %mul3A_209 : i32 to index
      %get3A_211 = tpu.vector_load %arg5[%get3A_210] {strides = array<i32>} : memref<2048xi32, #tpu.memory_space<vmem>>, vector<16xi32>,
      tpu.vector_store_idx %arg6[%get3A_211], %broadcast_in_dim3A_3 {add = true} : memref<64xf32, #tpu.memory_space<vmem>>[vector<16xi32>], vector<16xf32>,
      %mul3A_212 = arith.constant 8 : i32
      %mul3A_213 = arith.muli %scan3A_156, %mul3A_212 : i32
      %add3A_214 = arith.constant 7 : i32
      %add3A_215 = arith.addi %mul3A_213, %add3A_214 : i32
      %mul3A_216 = arith.constant 16 : i32
      %mul3A_217 = arith.muli %add3A_215, %mul3A_216 : i32
      %get3A_218 = arith.index_cast %mul3A_217 : i32 to index
      %get3A_219 = tpu.vector_load %arg5[%get3A_218] {strides = array<i32>} : memref<2048xi32, #tpu.memory_space<vmem>>, vector<16xi32>,
      tpu.vector_store_idx %arg6[%get3A_219], %broadcast_in_dim3A_3 {add = true} : memref<64xf32, #tpu.memory_space<vmem>>[vector<16xi32>], vector<16xf32>,
    }
    %scan3A_153 = arith.constant 16 : i32
    %add3A_154 = arith.constant 3 : i32
    %add3A_155 = arith.addi %mul3A_2, %add3A_154 : i32
    "tpu.region"() ({
      %run_scoped3A = tpu.sem_alloc : memref<!tpu.dma_semaphore, #tpu.memory_space<semaphore_mem>>
      %dma_start3A_156 = arith.constant 0 : i32
      %dma_start3A_157 = tpu.memref_slice %arg3[%add3A_155, %dma_start3A_156] : memref<128x64xf32, #tpu.memory_space<hbm>> -> memref<1x64xf32, #tpu.memory_space<hbm>>
      %dma_start3A_158 = tpu.memref_squeeze %dma_start3A_157 : memref<1x64xf32, #tpu.memory_space<hbm>> -> memref<64xf32, #tpu.memory_space<hbm>>
      %dma_start3A_159 = arith.constant 0 : i32
      %dma_start3A_160 = tpu.memref_slice %arg3[%add3A_155, %dma_start3A_159] : memref<128x64xf32, #tpu.memory_space<hbm>> -> memref<1x64xf32, #tpu.memory_space<hbm>>
      %dma_start3A_161 = tpu.memref_squeeze %dma_start3A_160 : memref<1x64xf32, #tpu.memory_space<hbm>> -> memref<64xf32, #tpu.memory_space<hbm>>
      tpu.enqueue_dma source(%arg6 : memref<64xf32, #tpu.memory_space<vmem>>) target(%dma_start3A_161 : memref<64xf32, #tpu.memory_space<hbm>>) target_semaphore(%run_scoped3A : memref<!tpu.dma_semaphore, #tpu.memory_space<semaphore_mem>>)
      %dma_wait3A_162 = arith.constant 0 : i32
      %dma_wait3A_163 = tpu.memref_slice %arg3[%add3A_155, %dma_wait3A_162] : memref<128x64xf32, #tpu.memory_space<hbm>> -> memref<1x64xf32, #tpu.memory_space<hbm>>
      %dma_wait3A_164 = tpu.memref_squeeze %dma_wait3A_163 : memref<1x64xf32, #tpu.memory_space<hbm>> -> memref<64xf32, #tpu.memory_space<hbm>>
      %dma_wait3A_165 = arith.constant 0 : i32
      %dma_wait3A_166 = tpu.memref_slice %arg3[%add3A_155, %dma_wait3A_165] : memref<128x64xf32, #tpu.memory_space<hbm>> -> memref<1x64xf32, #tpu.memory_space<hbm>>
      %dma_wait3A_167 = tpu.memref_squeeze %dma_wait3A_166 : memref<1x64xf32, #tpu.memory_space<hbm>> -> memref<64xf32, #tpu.memory_space<hbm>>
      tpu.wait_dma2 semaphore(%run_scoped3A : memref<!tpu.dma_semaphore, #tpu.memory_space<semaphore_mem>>) src(%arg6 : memref<64xf32, #tpu.memory_space<vmem>>) dst(%dma_wait3A_167 : memref<64xf32, #tpu.memory_space<hbm>>)
      tpu.yield
    }) : () -> ()
    return
  }
}

module attributes {stable_mosaic.version = 14 : i64} {
  func.func @_tc_kernel(%arg0: memref<128x64xf32, #tpu.memory_space<vmem>>, %arg1: memref<128x1xi32, #tpu.memory_space<vmem>>, %arg2: memref<64x64xf32, #tpu.memory_space<vmem>>, %arg3: memref<64x128xf32, #tpu.memory_space<vmem>>, %arg4: memref<1x128xf32, #tpu.memory_space<vmem>>, %arg5: memref<128x64xf32, #tpu.memory_space<vmem>>, %arg6: memref<1x64xf32, #tpu.memory_space<vmem>>, %arg7: memref<1x64xf32, #tpu.memory_space<vmem>>, %arg8: memref<1x64xf32, #tpu.memory_space<vmem>>, %arg9: memref<64x32xf32, #tpu.memory_space<vmem>>, %arg10: memref<1x32xf32, #tpu.memory_space<vmem>>, %arg11: memref<32x1xf32, #tpu.memory_space<vmem>>, %arg12: memref<1x1xf32, #tpu.memory_space<vmem>>, %arg13: memref<64x64xf32, #tpu.memory_space<vmem>>, %arg14: memref<1x64xf32, #tpu.memory_space<vmem>>, %arg15: memref<64x64xf32, #tpu.memory_space<vmem>>, %arg16: memref<1x64xf32, #tpu.memory_space<vmem>>, %arg17: memref<128x64xf32, #tpu.memory_space<vmem>>) attributes {dimension_semantics = [], scalar_prefetch = 0 : i64, scratch_operands = 0 : i64, tpu.core_type = #tpu.core_type<tc>} {
    %get3A = arith.constant 0 : index
    %get3A_0 = arith.constant 0 : index
    %get3A_1 = vector.load %arg2[%get3A, %get3A_0] : memref<64x64xf32, #tpu.memory_space<vmem>>, vector<64x64xf32>
    %get3A_2 = arith.constant 0 : index
    %get3A_3 = arith.constant 0 : index
    %get3A_4 = vector.load %arg3[%get3A_2, %get3A_3] : memref<64x128xf32, #tpu.memory_space<vmem>>, vector<64x128xf32>
    %dot_general3A = arith.constant dense<0.000000e+00> : vector<64x128xf32>
    %dot_general3A_5 = tpu.matmul %get3A_1, %get3A_4, %dot_general3A {dimension_numbers = #tpu.dot_dimension_numbers<[1], [0], [0], [1], [0, 0, 1, 1], [], []>, precision = #tpu.contract_precision<fp32>, transpose_lhs_hint = false} : vector<64x64xf32>, vector<64x128xf32>, vector<64x128xf32> -> vector<64x128xf32>
    %get3A_6 = arith.constant 0 : index
    %get3A_7 = arith.constant 0 : index
    %get3A_8 = vector.load %arg4[%get3A_6, %get3A_7] : memref<1x128xf32, #tpu.memory_space<vmem>>, vector<1x128xf32>
    %add3A = vector.broadcast %get3A_8 : vector<1x128xf32> to vector<64x128xf32>
    %add3A_9 = arith.addf %dot_general3A_5, %add3A : vector<64x128xf32>
    %max3A = arith.constant 0.000000e+00 : f32
    %max3A_10 = vector.broadcast %max3A : f32 to vector<64x128xf32>
    %max3A_11 = arith.maximumf %add3A_9, %max3A_10 : vector<64x128xf32>
    %get3A_12 = arith.constant 0 : index
    %get3A_13 = arith.constant 0 : index
    %get3A_14 = vector.load %arg5[%get3A_12, %get3A_13] : memref<128x64xf32, #tpu.memory_space<vmem>>, vector<128x64xf32>
    %dot_general3A_15 = arith.constant dense<0.000000e+00> : vector<64x64xf32>
    %dot_general3A_16 = tpu.matmul %max3A_11, %get3A_14, %dot_general3A_15 {dimension_numbers = #tpu.dot_dimension_numbers<[1], [0], [0], [1], [0, 0, 1, 1], [], []>, precision = #tpu.contract_precision<fp32>, transpose_lhs_hint = false} : vector<64x128xf32>, vector<128x64xf32>, vector<64x64xf32> -> vector<64x64xf32>
    %get3A_17 = arith.constant 0 : index
    %get3A_18 = arith.constant 0 : index
    %get3A_19 = vector.load %arg6[%get3A_17, %get3A_18] : memref<1x64xf32, #tpu.memory_space<vmem>>, vector<1x64xf32>
    %add3A_20 = vector.broadcast %get3A_19 : vector<1x64xf32> to vector<64x64xf32>
    %add3A_21 = arith.addf %dot_general3A_16, %add3A_20 : vector<64x64xf32>
    %add3A_22 = arith.addf %get3A_1, %add3A_21 : vector<64x64xf32>
    %reduce_sum3A = arith.constant dense<0.000000e+00> : vector<64xf32>
    %reduce_sum3A_23 = vector.multi_reduction <add>, %add3A_22, %reduce_sum3A [1] : vector<64x64xf32> to vector<64xf32>
    %broadcast_in_dim3A = vector.shape_cast %reduce_sum3A_23 : vector<64xf32> to vector<64x1xf32>
    %div3A = arith.constant 6.400000e+01 : f32
    %div3A_24 = vector.broadcast %div3A : f32 to vector<64x1xf32>
    %div3A_25 = arith.divf %broadcast_in_dim3A, %div3A_24 : vector<64x1xf32>
    %sub3A = vector.broadcast %div3A_25 : vector<64x1xf32> to vector<64x64xf32>
    %sub3A_26 = arith.subf %add3A_22, %sub3A : vector<64x64xf32>
    %integer_pow3A = arith.mulf %sub3A_26, %sub3A_26 : vector<64x64xf32>
    %reduce_sum3A_27 = arith.constant dense<0.000000e+00> : vector<64xf32>
    %reduce_sum3A_28 = vector.multi_reduction <add>, %integer_pow3A, %reduce_sum3A_27 [1] : vector<64x64xf32> to vector<64xf32>
    %broadcast_in_dim3A_29 = vector.shape_cast %reduce_sum3A_28 : vector<64xf32> to vector<64x1xf32>
    %div3A_30 = arith.constant 6.400000e+01 : f32
    %div3A_31 = vector.broadcast %div3A_30 : f32 to vector<64x1xf32>
    %div3A_32 = arith.divf %broadcast_in_dim3A_29, %div3A_31 : vector<64x1xf32>
    %sub3A_33 = vector.broadcast %div3A_25 : vector<64x1xf32> to vector<64x64xf32>
    %sub3A_34 = arith.subf %add3A_22, %sub3A_33 : vector<64x64xf32>
    %add3A_35 = arith.constant 9.99999974E-6 : f32
    %add3A_36 = vector.broadcast %add3A_35 : f32 to vector<64x1xf32>
    %add3A_37 = arith.addf %div3A_32, %add3A_36 : vector<64x1xf32>
    %sqrt3A = math.sqrt %add3A_37 : vector<64x1xf32>
    %div3A_38 = vector.broadcast %sqrt3A : vector<64x1xf32> to vector<64x64xf32>
    %div3A_39 = arith.divf %sub3A_34, %div3A_38 : vector<64x64xf32>
    %get3A_40 = arith.constant 0 : index
    %get3A_41 = arith.constant 0 : index
    %get3A_42 = vector.load %arg7[%get3A_40, %get3A_41] : memref<1x64xf32, #tpu.memory_space<vmem>>, vector<1x64xf32>
    %mul3A = vector.broadcast %get3A_42 : vector<1x64xf32> to vector<64x64xf32>
    %mul3A_43 = arith.mulf %div3A_39, %mul3A : vector<64x64xf32>
    %get3A_44 = arith.constant 0 : index
    %get3A_45 = arith.constant 0 : index
    %get3A_46 = vector.load %arg8[%get3A_44, %get3A_45] : memref<1x64xf32, #tpu.memory_space<vmem>>, vector<1x64xf32>
    %add3A_47 = vector.broadcast %get3A_46 : vector<1x64xf32> to vector<64x64xf32>
    %add3A_48 = arith.addf %mul3A_43, %add3A_47 : vector<64x64xf32>
    %get3A_49 = arith.constant 0 : index
    %get3A_50 = arith.constant 0 : index
    %get3A_51 = vector.load %arg9[%get3A_49, %get3A_50] : memref<64x32xf32, #tpu.memory_space<vmem>>, vector<64x32xf32>
    %dot_general3A_52 = arith.constant dense<0.000000e+00> : vector<64x32xf32>
    %dot_general3A_53 = tpu.matmul %add3A_48, %get3A_51, %dot_general3A_52 {dimension_numbers = #tpu.dot_dimension_numbers<[1], [0], [0], [1], [0, 0, 1, 1], [], []>, precision = #tpu.contract_precision<fp32>, transpose_lhs_hint = false} : vector<64x64xf32>, vector<64x32xf32>, vector<64x32xf32> -> vector<64x32xf32>
    %get3A_54 = arith.constant 0 : index
    %get3A_55 = arith.constant 0 : index
    %get3A_56 = vector.load %arg10[%get3A_54, %get3A_55] : memref<1x32xf32, #tpu.memory_space<vmem>>, vector<1x32xf32>
    %add3A_57 = vector.broadcast %get3A_56 : vector<1x32xf32> to vector<64x32xf32>
    %add3A_58 = arith.addf %dot_general3A_53, %add3A_57 : vector<64x32xf32>
    %max3A_59 = arith.constant 0.000000e+00 : f32
    %max3A_60 = vector.broadcast %max3A_59 : f32 to vector<64x32xf32>
    %max3A_61 = arith.maximumf %add3A_58, %max3A_60 : vector<64x32xf32>
    %get3A_62 = arith.constant 0 : index
    %get3A_63 = arith.constant 0 : index
    %get3A_64 = vector.load %arg11[%get3A_62, %get3A_63] : memref<32x1xf32, #tpu.memory_space<vmem>>, vector<32x1xf32>
    %dot_general3A_65 = arith.constant dense<0.000000e+00> : vector<64x1xf32>
    %dot_general3A_66 = tpu.matmul %max3A_61, %get3A_64, %dot_general3A_65 {dimension_numbers = #tpu.dot_dimension_numbers<[1], [0], [0], [1], [0, 0, 1, 1], [], []>, precision = #tpu.contract_precision<fp32>, transpose_lhs_hint = false} : vector<64x32xf32>, vector<32x1xf32>, vector<64x1xf32> -> vector<64x1xf32>
    %get3A_67 = arith.constant 0 : index
    %get3A_68 = arith.constant 0 : index
    %get3A_69 = vector.load %arg12[%get3A_67, %get3A_68] : memref<1x1xf32, #tpu.memory_space<vmem>>, vector<1x1xf32>
    %add3A_70 = vector.broadcast %get3A_69 : vector<1x1xf32> to vector<64x1xf32>
    %add3A_71 = arith.addf %dot_general3A_66, %add3A_70 : vector<64x1xf32>
    %iota3A = tpu.iota {dimensions = array<i32: 0>} : vector<64x1xi32>
    %iota3A_72 = tpu.iota {dimensions = array<i32: 1>} : vector<1x64xi32>
    %broadcast_in_dim3A_73 = arith.constant 0.000000e+00 : f32
    %broadcast_in_dim3A_74 = vector.broadcast %broadcast_in_dim3A_73 : f32 to vector<1x64xf32>
    %add3A_75 = vector.broadcast %add3A_71 : vector<64x1xf32> to vector<64x64xf32>
    %add3A_76 = vector.broadcast %broadcast_in_dim3A_74 : vector<1x64xf32> to vector<64x64xf32>
    %add3A_77 = arith.addf %add3A_75, %add3A_76 : vector<64x64xf32>
    %eq3A = vector.broadcast %iota3A : vector<64x1xi32> to vector<64x64xi32>
    %eq3A_78 = vector.broadcast %iota3A_72 : vector<1x64xi32> to vector<64x64xi32>
    %eq3A_79 = arith.cmpi eq, %eq3A, %eq3A_78 : vector<64x64xi32>
    %jit3A = arith.constant 0.000000e+00 : f32
    %broadcast_in_dim3A_80 = vector.broadcast %jit3A : f32 to vector<64x64xf32>
    %select_n3A = arith.select %eq3A_79, %add3A_77, %broadcast_in_dim3A_80 : vector<64x64xi1>, vector<64x64xf32>
    %reduce_sum3A_81 = arith.constant dense<0.000000e+00> : vector<64xf32>
    %reduce_sum3A_82 = vector.multi_reduction <add>, %select_n3A, %reduce_sum3A_81 [0] : vector<64x64xf32> to vector<64xf32>
    %broadcast_in_dim3A_83 = vector.shape_cast %reduce_sum3A_82 : vector<64xf32> to vector<1x64xf32>
    %gt3A = vector.broadcast %add3A_71 : vector<64x1xf32> to vector<64x64xf32>
    %gt3A_84 = vector.broadcast %broadcast_in_dim3A_83 : vector<1x64xf32> to vector<64x64xf32>
    %gt3A_85 = arith.cmpf ogt, %gt3A, %gt3A_84 : vector<64x64xf32>
    %eq3A_86 = vector.broadcast %add3A_71 : vector<64x1xf32> to vector<64x64xf32>
    %eq3A_87 = vector.broadcast %broadcast_in_dim3A_83 : vector<1x64xf32> to vector<64x64xf32>
    %eq3A_88 = arith.cmpf oeq, %eq3A_86, %eq3A_87 : vector<64x64xf32>
    %lt3A = vector.broadcast %iota3A : vector<64x1xi32> to vector<64x64xi32>
    %lt3A_89 = vector.broadcast %iota3A_72 : vector<1x64xi32> to vector<64x64xi32>
    %lt3A_90 = arith.cmpi slt, %lt3A, %lt3A_89 : vector<64x64xi32>
    %and3A = arith.andi %eq3A_88, %lt3A_90 : vector<64x64xi1>
    %or3A = arith.ori %gt3A_85, %and3A : vector<64x64xi1>
    %convert_element_type3A = arith.extui %or3A : vector<64x64xi1> to vector<64x64xi32>
    %convert_element_type3A_91 = arith.sitofp %convert_element_type3A : vector<64x64xi32> to vector<64x64xf32>
    %reduce_sum3A_92 = arith.constant dense<0.000000e+00> : vector<64xf32>
    %reduce_sum3A_93 = vector.multi_reduction <add>, %convert_element_type3A_91, %reduce_sum3A_92 [0] : vector<64x64xf32> to vector<64xf32>
    %broadcast_in_dim3A_94 = vector.shape_cast %reduce_sum3A_93 : vector<64xf32> to vector<1x64xf32>
    %gt3A_95 = vector.broadcast %broadcast_in_dim3A_83 : vector<1x64xf32> to vector<64x64xf32>
    %gt3A_96 = vector.broadcast %add3A_71 : vector<64x1xf32> to vector<64x64xf32>
    %gt3A_97 = arith.cmpf ogt, %gt3A_95, %gt3A_96 : vector<64x64xf32>
    %eq3A_98 = vector.broadcast %broadcast_in_dim3A_83 : vector<1x64xf32> to vector<64x64xf32>
    %eq3A_99 = vector.broadcast %add3A_71 : vector<64x1xf32> to vector<64x64xf32>
    %eq3A_100 = arith.cmpf oeq, %eq3A_98, %eq3A_99 : vector<64x64xf32>
    %lt3A_101 = vector.broadcast %iota3A_72 : vector<1x64xi32> to vector<64x64xi32>
    %lt3A_102 = vector.broadcast %iota3A : vector<64x1xi32> to vector<64x64xi32>
    %lt3A_103 = arith.cmpi slt, %lt3A_101, %lt3A_102 : vector<64x64xi32>
    %and3A_104 = arith.andi %eq3A_100, %lt3A_103 : vector<64x64xi1>
    %or3A_105 = arith.ori %gt3A_97, %and3A_104 : vector<64x64xi1>
    %convert_element_type3A_106 = arith.extui %or3A_105 : vector<64x64xi1> to vector<64x64xi32>
    %convert_element_type3A_107 = arith.sitofp %convert_element_type3A_106 : vector<64x64xi32> to vector<64x64xf32>
    %reduce_sum3A_108 = arith.constant dense<0.000000e+00> : vector<64xf32>
    %reduce_sum3A_109 = vector.multi_reduction <add>, %convert_element_type3A_107, %reduce_sum3A_108 [1] : vector<64x64xf32> to vector<64xf32>
    %broadcast_in_dim3A_110 = vector.shape_cast %reduce_sum3A_109 : vector<64xf32> to vector<64x1xf32>
    %convert_element_type3A_111 = arith.sitofp %iota3A : vector<64x1xi32> to vector<64x1xf32>
    %eq3A_112 = vector.broadcast %convert_element_type3A_111 : vector<64x1xf32> to vector<64x64xf32>
    %eq3A_113 = vector.broadcast %broadcast_in_dim3A_94 : vector<1x64xf32> to vector<64x64xf32>
    %eq3A_114 = arith.cmpf oeq, %eq3A_112, %eq3A_113 : vector<64x64xf32>
    %convert_element_type3A_115 = arith.extui %eq3A_114 : vector<64x64xi1> to vector<64x64xi32>
    %convert_element_type3A_116 = arith.sitofp %convert_element_type3A_115 : vector<64x64xi32> to vector<64x64xf32>
    %convert_element_type3A_117 = arith.sitofp %iota3A_72 : vector<1x64xi32> to vector<1x64xf32>
    %eq3A_118 = vector.broadcast %broadcast_in_dim3A_110 : vector<64x1xf32> to vector<64x64xf32>
    %eq3A_119 = vector.broadcast %convert_element_type3A_117 : vector<1x64xf32> to vector<64x64xf32>
    %eq3A_120 = arith.cmpf oeq, %eq3A_118, %eq3A_119 : vector<64x64xf32>
    %convert_element_type3A_121 = arith.extui %eq3A_120 : vector<64x64xi1> to vector<64x64xi32>
    %convert_element_type3A_122 = arith.sitofp %convert_element_type3A_121 : vector<64x64xi32> to vector<64x64xf32>
    %dot_general3A_123 = arith.constant dense<0.000000e+00> : vector<64x64xf32>
    %dot_general3A_124 = tpu.matmul %convert_element_type3A_116, %add3A_48, %dot_general3A_123 {dimension_numbers = #tpu.dot_dimension_numbers<[1], [0], [0], [1], [0, 0, 1, 1], [], []>, precision = #tpu.contract_precision<fp32>, transpose_lhs_hint = false} : vector<64x64xf32>, vector<64x64xf32>, vector<64x64xf32> -> vector<64x64xf32>
    %get3A_125 = arith.constant 0 : index
    %get3A_126 = arith.constant 0 : index
    %get3A_127 = vector.load %arg0[%get3A_125, %get3A_126] : memref<128x64xf32, #tpu.memory_space<vmem>>, vector<128x64xf32>
    %dot_general3A_128 = arith.constant dense<0.000000e+00> : vector<128x64xf32>
    %dot_general3A_129 = tpu.matmul %get3A_127, %convert_element_type3A_122, %dot_general3A_128 {dimension_numbers = #tpu.dot_dimension_numbers<[1], [0], [0], [1], [0, 0, 1, 1], [], []>, precision = #tpu.contract_precision<fp32>, transpose_lhs_hint = false} : vector<128x64xf32>, vector<64x64xf32>, vector<128x64xf32> -> vector<128x64xf32>
    %le3A = vector.broadcast %iota3A : vector<64x1xi32> to vector<64x64xi32>
    %le3A_130 = vector.broadcast %iota3A_72 : vector<1x64xi32> to vector<64x64xi32>
    %le3A_131 = arith.cmpi sle, %le3A, %le3A_130 : vector<64x64xi32>
    %convert_element_type3A_132 = arith.extui %le3A_131 : vector<64x64xi1> to vector<64x64xi32>
    %convert_element_type3A_133 = arith.sitofp %convert_element_type3A_132 : vector<64x64xi32> to vector<64x64xf32>
    %dot_general3A_134 = arith.constant dense<0.000000e+00> : vector<128x64xf32>
    %dot_general3A_135 = tpu.matmul %dot_general3A_129, %convert_element_type3A_133, %dot_general3A_134 {dimension_numbers = #tpu.dot_dimension_numbers<[1], [0], [0], [1], [0, 0, 1, 1], [], []>, precision = #tpu.contract_precision<fp32>, transpose_lhs_hint = false} : vector<128x64xf32>, vector<64x64xf32>, vector<128x64xf32> -> vector<128x64xf32>
    %sub3A_136 = arith.subf %dot_general3A_135, %dot_general3A_129 : vector<128x64xf32>
    %get3A_137 = arith.constant 0 : index
    %get3A_138 = arith.constant 0 : index
    %get3A_139 = vector.load %arg1[%get3A_137, %get3A_138] : memref<128x1xi32, #tpu.memory_space<vmem>>, vector<128x1xi32>
    %eq3A_140 = vector.broadcast %get3A_139 : vector<128x1xi32> to vector<128x64xi32>
    %eq3A_141 = vector.broadcast %iota3A_72 : vector<1x64xi32> to vector<128x64xi32>
    %eq3A_142 = arith.cmpi eq, %eq3A_140, %eq3A_141 : vector<128x64xi32>
    %convert_element_type3A_143 = arith.extui %eq3A_142 : vector<128x64xi1> to vector<128x64xi32>
    %convert_element_type3A_144 = arith.sitofp %convert_element_type3A_143 : vector<128x64xi32> to vector<128x64xf32>
    %dot_general3A_145 = arith.constant dense<0.000000e+00> : vector<128x64xf32>
    %dot_general3A_146 = tpu.matmul %convert_element_type3A_144, %add3A_48, %dot_general3A_145 {dimension_numbers = #tpu.dot_dimension_numbers<[1], [0], [0], [1], [0, 0, 1, 1], [], []>, precision = #tpu.contract_precision<fp32>, transpose_lhs_hint = false} : vector<128x64xf32>, vector<64x64xf32>, vector<128x64xf32> -> vector<128x64xf32>
    %get3A_147 = arith.constant 0 : index
    %get3A_148 = arith.constant 0 : index
    %get3A_149 = vector.load %arg13[%get3A_147, %get3A_148] : memref<64x64xf32, #tpu.memory_space<vmem>>, vector<64x64xf32>
    %dot_general3A_150 = arith.constant dense<0.000000e+00> : vector<128x64xf32>
    %dot_general3A_151 = tpu.matmul %dot_general3A_146, %get3A_149, %dot_general3A_150 {dimension_numbers = #tpu.dot_dimension_numbers<[1], [0], [0], [1], [0, 0, 1, 1], [], []>, precision = #tpu.contract_precision<fp32>, transpose_lhs_hint = false} : vector<128x64xf32>, vector<64x64xf32>, vector<128x64xf32> -> vector<128x64xf32>
    %get3A_152 = arith.constant 0 : index
    %get3A_153 = arith.constant 0 : index
    %get3A_154 = vector.load %arg14[%get3A_152, %get3A_153] : memref<1x64xf32, #tpu.memory_space<vmem>>, vector<1x64xf32>
    %add3A_155 = vector.broadcast %get3A_154 : vector<1x64xf32> to vector<128x64xf32>
    %add3A_156 = arith.addf %dot_general3A_151, %add3A_155 : vector<128x64xf32>
    %le3A_157 = arith.constant 0.000000e+00 : f32
    %le3A_158 = vector.broadcast %le3A_157 : f32 to vector<128x64xf32>
    %le3A_159 = arith.cmpf ole, %sub3A_136, %le3A_158 : vector<128x64xf32>
    %gt3A_160 = arith.constant 0.000000e+00 : f32
    %gt3A_161 = vector.broadcast %gt3A_160 : f32 to vector<128x64xf32>
    %gt3A_162 = arith.cmpf ogt, %dot_general3A_135, %gt3A_161 : vector<128x64xf32>
    %and3A_163 = arith.andi %le3A_159, %gt3A_162 : vector<128x64xi1>
    %convert_element_type3A_164 = arith.extui %and3A_163 : vector<128x64xi1> to vector<128x64xi32>
    %convert_element_type3A_165 = arith.sitofp %convert_element_type3A_164 : vector<128x64xi32> to vector<128x64xf32>
    %dot_general3A_166 = arith.constant dense<0.000000e+00> : vector<128x64xf32>
    %dot_general3A_167 = tpu.matmul %convert_element_type3A_165, %dot_general3A_124, %dot_general3A_166 {dimension_numbers = #tpu.dot_dimension_numbers<[1], [0], [0], [1], [0, 0, 1, 1], [], []>, precision = #tpu.contract_precision<fp32>, transpose_lhs_hint = false} : vector<128x64xf32>, vector<64x64xf32>, vector<128x64xf32> -> vector<128x64xf32>
    %mul3A_168 = arith.mulf %dot_general3A_167, %add3A_156 : vector<128x64xf32>
    %reduce_sum3A_169 = arith.constant dense<0.000000e+00> : vector<128xf32>
    %reduce_sum3A_170 = vector.multi_reduction <add>, %mul3A_168, %reduce_sum3A_169 [1] : vector<128x64xf32> to vector<128xf32>
    %broadcast_in_dim3A_171 = vector.shape_cast %reduce_sum3A_170 : vector<128xf32> to vector<128x1xf32>
    %mul3A_172 = arith.constant 1.250000e-01 : f32
    %mul3A_173 = vector.broadcast %mul3A_172 : f32 to vector<128x1xf32>
    %mul3A_174 = arith.mulf %broadcast_in_dim3A_171, %mul3A_173 : vector<128x1xf32>
    %le3A_175 = arith.constant 1.000000e+00 : f32
    %le3A_176 = vector.broadcast %le3A_175 : f32 to vector<128x64xf32>
    %le3A_177 = arith.cmpf ole, %sub3A_136, %le3A_176 : vector<128x64xf32>
    %gt3A_178 = arith.constant 1.000000e+00 : f32
    %gt3A_179 = vector.broadcast %gt3A_178 : f32 to vector<128x64xf32>
    %gt3A_180 = arith.cmpf ogt, %dot_general3A_135, %gt3A_179 : vector<128x64xf32>
    %and3A_181 = arith.andi %le3A_177, %gt3A_180 : vector<128x64xi1>
    %convert_element_type3A_182 = arith.extui %and3A_181 : vector<128x64xi1> to vector<128x64xi32>
    %convert_element_type3A_183 = arith.sitofp %convert_element_type3A_182 : vector<128x64xi32> to vector<128x64xf32>
    %dot_general3A_184 = arith.constant dense<0.000000e+00> : vector<128x64xf32>
    %dot_general3A_185 = tpu.matmul %convert_element_type3A_183, %dot_general3A_124, %dot_general3A_184 {dimension_numbers = #tpu.dot_dimension_numbers<[1], [0], [0], [1], [0, 0, 1, 1], [], []>, precision = #tpu.contract_precision<fp32>, transpose_lhs_hint = false} : vector<128x64xf32>, vector<64x64xf32>, vector<128x64xf32> -> vector<128x64xf32>
    %mul3A_186 = arith.mulf %dot_general3A_185, %add3A_156 : vector<128x64xf32>
    %reduce_sum3A_187 = arith.constant dense<0.000000e+00> : vector<128xf32>
    %reduce_sum3A_188 = vector.multi_reduction <add>, %mul3A_186, %reduce_sum3A_187 [1] : vector<128x64xf32> to vector<128xf32>
    %broadcast_in_dim3A_189 = vector.shape_cast %reduce_sum3A_188 : vector<128xf32> to vector<128x1xf32>
    %mul3A_190 = arith.constant 1.250000e-01 : f32
    %mul3A_191 = vector.broadcast %mul3A_190 : f32 to vector<128x1xf32>
    %mul3A_192 = arith.mulf %broadcast_in_dim3A_189, %mul3A_191 : vector<128x1xf32>
    %le3A_193 = arith.constant 2.000000e+00 : f32
    %le3A_194 = vector.broadcast %le3A_193 : f32 to vector<128x64xf32>
    %le3A_195 = arith.cmpf ole, %sub3A_136, %le3A_194 : vector<128x64xf32>
    %gt3A_196 = arith.constant 2.000000e+00 : f32
    %gt3A_197 = vector.broadcast %gt3A_196 : f32 to vector<128x64xf32>
    %gt3A_198 = arith.cmpf ogt, %dot_general3A_135, %gt3A_197 : vector<128x64xf32>
    %and3A_199 = arith.andi %le3A_195, %gt3A_198 : vector<128x64xi1>
    %convert_element_type3A_200 = arith.extui %and3A_199 : vector<128x64xi1> to vector<128x64xi32>
    %convert_element_type3A_201 = arith.sitofp %convert_element_type3A_200 : vector<128x64xi32> to vector<128x64xf32>
    %dot_general3A_202 = arith.constant dense<0.000000e+00> : vector<128x64xf32>
    %dot_general3A_203 = tpu.matmul %convert_element_type3A_201, %dot_general3A_124, %dot_general3A_202 {dimension_numbers = #tpu.dot_dimension_numbers<[1], [0], [0], [1], [0, 0, 1, 1], [], []>, precision = #tpu.contract_precision<fp32>, transpose_lhs_hint = false} : vector<128x64xf32>, vector<64x64xf32>, vector<128x64xf32> -> vector<128x64xf32>
    %mul3A_204 = arith.mulf %dot_general3A_203, %add3A_156 : vector<128x64xf32>
    %reduce_sum3A_205 = arith.constant dense<0.000000e+00> : vector<128xf32>
    %reduce_sum3A_206 = vector.multi_reduction <add>, %mul3A_204, %reduce_sum3A_205 [1] : vector<128x64xf32> to vector<128xf32>
    %broadcast_in_dim3A_207 = vector.shape_cast %reduce_sum3A_206 : vector<128xf32> to vector<128x1xf32>
    %mul3A_208 = arith.constant 1.250000e-01 : f32
    %mul3A_209 = vector.broadcast %mul3A_208 : f32 to vector<128x1xf32>
    %mul3A_210 = arith.mulf %broadcast_in_dim3A_207, %mul3A_209 : vector<128x1xf32>
    %le3A_211 = arith.constant 3.000000e+00 : f32
    %le3A_212 = vector.broadcast %le3A_211 : f32 to vector<128x64xf32>
    %le3A_213 = arith.cmpf ole, %sub3A_136, %le3A_212 : vector<128x64xf32>
    %gt3A_214 = arith.constant 3.000000e+00 : f32
    %gt3A_215 = vector.broadcast %gt3A_214 : f32 to vector<128x64xf32>
    %gt3A_216 = arith.cmpf ogt, %dot_general3A_135, %gt3A_215 : vector<128x64xf32>
    %and3A_217 = arith.andi %le3A_213, %gt3A_216 : vector<128x64xi1>
    %convert_element_type3A_218 = arith.extui %and3A_217 : vector<128x64xi1> to vector<128x64xi32>
    %convert_element_type3A_219 = arith.sitofp %convert_element_type3A_218 : vector<128x64xi32> to vector<128x64xf32>
    %dot_general3A_220 = arith.constant dense<0.000000e+00> : vector<128x64xf32>
    %dot_general3A_221 = tpu.matmul %convert_element_type3A_219, %dot_general3A_124, %dot_general3A_220 {dimension_numbers = #tpu.dot_dimension_numbers<[1], [0], [0], [1], [0, 0, 1, 1], [], []>, precision = #tpu.contract_precision<fp32>, transpose_lhs_hint = false} : vector<128x64xf32>, vector<64x64xf32>, vector<128x64xf32> -> vector<128x64xf32>
    %mul3A_222 = arith.mulf %dot_general3A_221, %add3A_156 : vector<128x64xf32>
    %reduce_sum3A_223 = arith.constant dense<0.000000e+00> : vector<128xf32>
    %reduce_sum3A_224 = vector.multi_reduction <add>, %mul3A_222, %reduce_sum3A_223 [1] : vector<128x64xf32> to vector<128xf32>
    %broadcast_in_dim3A_225 = vector.shape_cast %reduce_sum3A_224 : vector<128xf32> to vector<128x1xf32>
    %mul3A_226 = arith.constant 1.250000e-01 : f32
    %mul3A_227 = vector.broadcast %mul3A_226 : f32 to vector<128x1xf32>
    %mul3A_228 = arith.mulf %broadcast_in_dim3A_225, %mul3A_227 : vector<128x1xf32>
    %max3A_229 = arith.maximumf %mul3A_174, %mul3A_192 : vector<128x1xf32>
    %max3A_230 = arith.maximumf %mul3A_210, %mul3A_228 : vector<128x1xf32>
    %max3A_231 = arith.maximumf %max3A_229, %max3A_230 : vector<128x1xf32>
    %sub3A_232 = arith.subf %mul3A_174, %max3A_231 : vector<128x1xf32>
    %exp3A = math.exp %sub3A_232 : vector<128x1xf32>
    %sub3A_233 = arith.subf %mul3A_192, %max3A_231 : vector<128x1xf32>
    %exp3A_234 = math.exp %sub3A_233 : vector<128x1xf32>
    %sub3A_235 = arith.subf %mul3A_210, %max3A_231 : vector<128x1xf32>
    %exp3A_236 = math.exp %sub3A_235 : vector<128x1xf32>
    %sub3A_237 = arith.subf %mul3A_228, %max3A_231 : vector<128x1xf32>
    %exp3A_238 = math.exp %sub3A_237 : vector<128x1xf32>
    %add3A_239 = arith.addf %exp3A, %exp3A_234 : vector<128x1xf32>
    %add3A_240 = arith.addf %add3A_239, %exp3A_236 : vector<128x1xf32>
    %add3A_241 = arith.addf %add3A_240, %exp3A_238 : vector<128x1xf32>
    %mul3A_242 = vector.broadcast %exp3A : vector<128x1xf32> to vector<128x64xf32>
    %mul3A_243 = arith.mulf %mul3A_242, %dot_general3A_167 : vector<128x64xf32>
    %add3A_244 = arith.constant 0.000000e+00 : f32
    %add3A_245 = vector.broadcast %add3A_244 : f32 to vector<128x64xf32>
    %add3A_246 = arith.addf %add3A_245, %mul3A_243 : vector<128x64xf32>
    %mul3A_247 = vector.broadcast %exp3A_234 : vector<128x1xf32> to vector<128x64xf32>
    %mul3A_248 = arith.mulf %mul3A_247, %dot_general3A_185 : vector<128x64xf32>
    %add3A_249 = arith.addf %add3A_246, %mul3A_248 : vector<128x64xf32>
    %mul3A_250 = vector.broadcast %exp3A_236 : vector<128x1xf32> to vector<128x64xf32>
    %mul3A_251 = arith.mulf %mul3A_250, %dot_general3A_203 : vector<128x64xf32>
    %add3A_252 = arith.addf %add3A_249, %mul3A_251 : vector<128x64xf32>
    %mul3A_253 = vector.broadcast %exp3A_238 : vector<128x1xf32> to vector<128x64xf32>
    %mul3A_254 = arith.mulf %mul3A_253, %dot_general3A_221 : vector<128x64xf32>
    %add3A_255 = arith.addf %add3A_252, %mul3A_254 : vector<128x64xf32>
    %div3A_256 = vector.broadcast %add3A_241 : vector<128x1xf32> to vector<128x64xf32>
    %div3A_257 = arith.divf %add3A_255, %div3A_256 : vector<128x64xf32>
    %get3A_258 = arith.constant 0 : index
    %get3A_259 = arith.constant 0 : index
    %get3A_260 = vector.load %arg15[%get3A_258, %get3A_259] : memref<64x64xf32, #tpu.memory_space<vmem>>, vector<64x64xf32>
    %dot_general3A_261 = arith.constant dense<0.000000e+00> : vector<128x64xf32>
    %dot_general3A_262 = tpu.matmul %div3A_257, %get3A_260, %dot_general3A_261 {dimension_numbers = #tpu.dot_dimension_numbers<[1], [0], [0], [1], [0, 0, 1, 1], [], []>, precision = #tpu.contract_precision<fp32>, transpose_lhs_hint = false} : vector<128x64xf32>, vector<64x64xf32>, vector<128x64xf32> -> vector<128x64xf32>
    %get3A_263 = arith.constant 0 : index
    %get3A_264 = arith.constant 0 : index
    %get3A_265 = vector.load %arg16[%get3A_263, %get3A_264] : memref<1x64xf32, #tpu.memory_space<vmem>>, vector<1x64xf32>
    %add3A_266 = vector.broadcast %get3A_265 : vector<1x64xf32> to vector<128x64xf32>
    %add3A_267 = arith.addf %dot_general3A_262, %add3A_266 : vector<128x64xf32>
    %swap3A = arith.constant 0 : index
    %swap3A_268 = arith.constant 0 : index
    %swap3A_269 = vector.load %arg17[%swap3A, %swap3A_268] : memref<128x64xf32, #tpu.memory_space<vmem>>, vector<128x64xf32>
    tpu.vector_store %arg17[%swap3A, %swap3A_268], %add3A_267 {strides = array<i32>} : memref<128x64xf32, #tpu.memory_space<vmem>>, vector<128x64xf32>,
    return
  }
}

</mosaic_0001>

<sc_bundles>
// kernel: kernel.4.cloned.1.call-start
scs
__scs_entry_jumppad:
0x0: {  	(pc) =	sbr.rel $0x88, $3  }
0x1: {  	(tag) =	ssettag $0x0;
	lr =	simm.s32 $0x1  }
0x2: {  	[smem:$0x3F91] =	sst lr;
	_ =	strace $0xD0000000  }
0x3: {  	_ = 	snop  }
0x4: {  	_ = 	snop  }
0x5: {  	_ = 	snop  }
0x6: {  	_ = 	snop  }
0x7: {  	_ = 	snop  }
__scs_overlays_trampoline_lowered:
0x8: {  	[smem:$0x3FA0] =	sst s0  }
0x9: {  	[smem:$0x3FA1] =	sst s1  }
0xa: {  	[smem:$0x3FA2] =	sst s2  }
0xb: {  	[smem:$0x3FA3] =	sst s3  }
0xc: {  	[smem:$0x3FA4] =	sst s4  }
0xd: {  	[smem:$0x3FA5] =	sst s5  }
0xe: {  	[smem:$0x3FA6] =	sst s6  }
0xf: {  	[smem:$0x3FA7] =	sst s7  }
0x10: {  	[smem:$0x3FA8] =	sst s8  }
0x11: {  	[smem:$0x3FA9] =	sst s9;
	s0 =	simm.s32 @!p0 $0x0  }
0x12: {  	s1 =	sld [smem:$0x3F8F];
	s0 =	simm.s32 @p0 $0x1  }
0x13: {  	[smem:$0x3FAA] =	sst s0;
	s0 =	simm.s32 @!p1 $0x0  }
0x14: {  	s2 =	sld [smem:$0x3F8E];
	s0 =	simm.s32 @p1 $0x1  }
0x15: {  	[smem:$0x3FAB] =	sst s0;
	s0 =	simm.s32 @!p2 $0x0  }
0x16: {  	s3 =	sld [smem:$0x3FDB];
	s0 =	simm.s32 @p2 $0x1  }
0x17: {  	s4 =	simm.s32 $0x1BF5;
	[smem:$0x3FAD] =	sst s0  }
0x18: {  	s0 =	sld [smem:$0x3F90];
	_ =	swait.ge [sflag:s4], $0x0  }
0x19: {  	s7 =	sld [smem:$0x3F91]  }
0x1a: {  	s8 =	sadd.s32 $0xFFFFE003, lr  }
0x1b: {  	s9 =	sadd.s32 $0xFFFFFEF7, lr;
	s5 =	simm.s32 $0xFFFFFFFF;
	p2 =	slt.u32 s8, $0xFFFFF086  }
0x1c: {  	p1 =	slt.u32 s9, $0xF7A;
	s5 =	simm.s32 @!p2 $0x0  }
0x1d: {  	s5 =	simm.s32 @p1 $0x1;
	p0 =	seq.s32 s7, s2  }
0x1e: {  	s7 =	smul.u32 @!p0 $0xF7A, s2;
	p2 =	seq.s32 @!p0 s5, $0x0  }
0x1f: {  	s9 =	smul.u32 $0xF7A, s1;
	s8 =	simm.s32 @!p0 $0x1BF5;
	p2 =	por !p2, p0  }
0x20: {  	[sflag:s8] =	ssyncset.s32 @!p0 $0xFFFFF086;
	s6 =	sadd.s32 @!p0 s3, s7;
	s7 =	simm.s32 @!p0 $0x108  }
0x21: {  	s3 =	sadd.s32 s3, s9;
	s6 =	sadd.s32 @!p0 $0x88, s6;
	s7 =	simm.s32 @p2 $0x1082  }
0x22: {  	[simem:s7], [sflag:s8] =	dma.local @!p0 [hbm:s6], $0xF7A  }
0x23: {  	s9 =	sor.u32 $0xD0000000, s2;
	s6 =	simm.s32 $0x108;
	_ =	swait.ge @!p0 [sflag:s8], $0x0  }
0x24: {  	s3 =	sadd.s32 $0x88, s3;
	s6 =	simm.s32 @!p1 $0x1082;
	[sflag:s4] =	ssyncset.s32 $0xFFFFF086  }
0x25: {  	[simem:s6], [sflag:s4] =	dma.local [hbm:s3], $0xF7A  }
0x26: {  	[smem:$0x3F91] =	sst s1;
	(tag) =	ssettag s2;
	_ =	strace s9  }
0x27: {  	s1 =	sld [smem:$0x3FA1]  }
0x28: {  	s2 =	sld [smem:$0x3FA2]  }
0x29: {  	s4 =	sld [smem:$0x3FA4]  }
0x2a: {  	p0 =	seq.s32 s5, $0x0;
	s5 =	sld [smem:$0x3FA5]  }
0x2b: {  	s6 =	sld [smem:$0x3FA6]  }
0x2c: {  	s7 =	sld [smem:$0x3FA7]  }
0x2d: {  	s3 =	simm.s32 $0x108;
	s8 =	sld [smem:$0x3FA8]  }
0x2e: {  	s3 =	simm.s32 @!p0 $0x1082;
	s9 =	sld [smem:$0x3FA9]  }
0x2f: {  	lr =	sadd.s32 s0, s3;
	s0 =	sld [smem:$0x3FA0]  }
0x30: {  	s3 =	sld [smem:$0x3FA3]  }
0x31: {  	[smem:$0x3FAC] =	sst s10  }
0x32: {  	s10 =	sld [smem:$0x3FAA];
	_ =	sdelay $0x3  }
0x33: {  	p0 =	seq.s32 s10, $0x1;
	s10 =	sld [smem:$0x3FAC];
	_ =	sdelay $0x3  }
0x34: {  	[smem:$0x3FAC] =	sst s10  }
0x35: {  	s10 =	sld [smem:$0x3FAB];
	_ =	sdelay $0x3  }
0x36: {  	p1 =	seq.s32 s10, $0x1;
	s10 =	sld [smem:$0x3FAC];
	_ =	sdelay $0x3  }
0x37: {  	[smem:$0x3FAC] =	sst s10  }
0x38: {  	s10 =	sld [smem:$0x3FAD]  }
0x39: {  	_ = 	snop;
	(pc) =	sbr.ind lr, $3  }
0x3a: {  	_ = 	snop  }
0x3b: {  	_ = 	snop  }
0x3c: {  	p2 =	seq.s32 s10, $0x1;
	s10 =	sld [smem:$0x3FAC]  }
0x3d: {  	_ =	shalt  }
0x3e: {  	_ =	shalt  }
0x3f: {  	_ =	shalt  }
0x40: {  	_ =	shalt  }
0x41: {  	_ =	shalt  }
0x42: {  	_ =	shalt  }
0x43: {  	_ =	shalt  }
0x44: {  	_ =	shalt  }
0x45: {  	_ =	shalt  }
0x46: {  	_ =	shalt  }
0x47: {  	_ =	shalt  }
0x48: {  	_ =	shalt  }
0x49: {  	_ =	shalt  }
0x4a: {  	_ =	shalt  }
0x4b: {  	_ =	shalt  }
0x4c: {  	_ =	shalt  }
0x4d: {  	_ =	shalt  }
0x4e: {  	_ =	shalt  }
0x4f: {  	_ =	shalt  }
0x50: {  	_ =	shalt  }
0x51: {  	_ =	shalt  }
0x52: {  	_ =	shalt  }
0x53: {  	_ =	shalt  }
0x54: {  	_ =	shalt  }
0x55: {  	_ =	shalt  }
0x56: {  	_ =	shalt  }
0x57: {  	_ =	shalt  }
0x58: {  	_ =	shalt  }
0x59: {  	_ =	shalt  }
0x5a: {  	_ =	shalt  }
0x5b: {  	_ =	shalt  }
0x5c: {  	_ =	shalt  }
0x5d: {  	_ =	shalt  }
0x5e: {  	_ =	shalt  }
0x5f: {  	_ =	shalt  }
0x60: {  	_ =	shalt  }
0x61: {  	_ =	shalt  }
0x62: {  	_ =	shalt  }
0x63: {  	_ =	shalt  }
0x64: {  	_ =	shalt  }
0x65: {  	_ =	shalt  }
0x66: {  	_ =	shalt  }
0x67: {  	_ =	shalt  }
0x68: {  	_ =	shalt  }
0x69: {  	_ =	shalt  }
0x6a: {  	_ =	shalt  }
0x6b: {  	_ =	shalt  }
0x6c: {  	_ =	shalt  }
0x6d: {  	_ =	shalt  }
0x6e: {  	_ =	shalt  }
0x6f: {  	_ =	shalt  }
0x70: {  	_ =	shalt  }
0x71: {  	_ =	shalt  }
0x72: {  	_ =	shalt  }
0x73: {  	_ =	shalt  }
0x74: {  	_ =	shalt  }
0x75: {  	_ =	shalt  }
0x76: {  	_ =	shalt  }
0x77: {  	_ =	shalt  }
0x78: {  	_ =	shalt  }
0x79: {  	_ =	shalt  }
0x7a: {  	_ =	shalt  }
0x7b: {  	_ =	shalt  }
0x7c: {  	_ =	shalt  }
0x7d: {  	_ =	shalt  }
0x7e: {  	_ =	shalt  }
0x7f: {  	_ =	shalt  }
0x80: {  	_ =	shalt  }
0x81: {  	_ =	shalt  }
0x82: {  	_ =	shalt  }
0x83: {  	_ =	shalt  }
0x84: {  	_ =	shalt  }
0x85: {  	_ =	shalt  }
0x86: {  	_ =	shalt  }
0x87: {  	_ =	shalt  }
.Lfunc_end0:
.L_simem_size_0:
called_computation_lowered:
.L_overlay_start_0:
0x88: {  	s2 =	sld [smem:$0x3FD9]  }
0x89: {  	s3 =	sld [smem:$0x3FFE];
	_ =	sdelay $0x1  }
0x8a: {  	s1 =	srdreg.scid  }
0x8b: {  	s0 =	sand.u32 $0x1, s1  }
0x8c: {  	s17 =	sshll.u32 s0, $0xA;
	s2 =	sadd.s32 s3, s2  }
0x8d: {  	s2 =	sadd.s32 s2, s17  }
0x8e: {  	[smem:$0x3FB8] =	sst s2  }
0x8f: {  	_ = 	snop  }
0x90: {  	s2 =	sld [smem:$0x3FC9];
	(tm) =	ssettm $0x1  }
0x91: {  	s18 =	sld [smem:$0x3FFB];
	_ =	sdelay $0x3  }
0x92: {  	_ =	strace s18  }
0x93: {  	s3 =	sld [smem:$0x3FFC];
	_ =	sdelay $0x3  }
0x94: {  	_ =	strace s3  }
0x95: {  	s3 =	sld [smem:$0x3FFD];
	_ =	sdelay $0x3  }
0x96: {  	_ =	strace s3  }
0x97: {  	_ =	strace $0x8FFFFFFF  }
0x98: {  	s19 =	sld [smem:$0x3FDB];
	_ =	sdelay $0x1  }
0x99: {  	s4 =	simm.s32 $_scs_section_size  }
0x9a: {  	s5 =	simm.s32 $_size__tile_overlayer_lowered;
	s6 =	simm.s32 $_tile_overlayer_lowered  }
0x9b: {  	s22 =	simm.s32 $0x1BFF;
	s21 =	sshll.u32 s6, $0x1;
	s3 =	sadd.s32 s4, s19  }
0x9c: {  	s7 =	simm.s32 $0x0;
	s20 =	sshll.u32 s5, $0x1;
	s5 =	sadd.s32 s21, s3  }
0x9d: {  	[timem:s7], [sflag:s22] =	dma.local [hbm:s5], s20  }
0x9e: {  	_ =	swait.ge [sflag:s22], s20  }
0x9f: {  	s4 =	ssub.s32 $0x0, s20;
	[sflag:s22] =	ssyncset.done $0x0  }
0xa0: {  	[sflag:s22] =	ssyncadd.s32 s4;
	_ =	sdelay $0x1  }
0xa1: {  	s23 =	simm.s32 $0x1B8B  }
0xa2: {  	_ =	swait.ge [sflag:s23], $0x1  }
0xa3: {  	[sflag:s23] =	ssyncset.done $0x0  }
0xa4: {  	s25 =	simm.s32 $0x1B8E;
	s24 =	sld [smem:$0x3FFE];
	[sflag:s23] =	ssyncadd.s32 $0xFFFFFFFF  }
0xa5: {  	s26 =	simm.s32 $execute0_lowered;
	[smem:$0x3FD2] =	sst s25  }
0xa6: {  	s5 =	sshll.u32 s26, $0x1;
	_ =	strace $0x80000046;
	[dreg:$0x1] =	wrdreg $0xFFFFFFFF  }
0xa7: {  	s28 =	simm.s32 $_size_execute0_lowered;
	s3 =	sadd.s32 s3, s5;
	[dreg:$0x0] =	wrdreg $0x0  }
0xa8: {  	s5 =	sshll.u32 s28, $0x1;
	[dreg:$0x2] =	wrdreg s3  }
0xa9: {  	[dreg:$0x3] =	wrdreg s5  }
0xaa: {  	[dreg:$0x4] =	wrdreg $0xC0  }
0xab: {  	_ =	task [dreg:s7], $0x5FFFF  }
0xac: {  	[dreg:$0x1] =	wrdreg $0xFFFFFFFF  }
0xad: {  	[dreg:$0x0] =	wrdreg $0x60  }
0xae: {  	[dreg:$0x2] =	wrdreg s2  }
0xaf: {  	[dreg:$0x3] =	wrdreg s24  }
0xb0: {  	[dreg:$0x4] =	wrdreg $0x9  }
0xb1: {  	_ =	task.clear_ibuf [dreg:s7], $0x5FFFF;
	_ =	strace $0x90000046  }
0xb2: {  	s29 =	simm.s32 $0x9;
	_ =	strace $0x80000048  }
0xb3: {  	_ =	swait.ge [sflag:s29], $0x1  }
0xb4: {  	[sflag:s29] =	ssyncadd.s32 $0xFFFFFFFF  }
0xb5: {  	_ =	strace $0x90000048  }
0xb6: {  	_ =	sfence  }
0xb7: {  	s30 =	sld [smem:$0x0];
	_ =	sdelay $0x2  }
0xb8: {  	s31 =	sshll.u32 s1, $0xD;
	s1 =	sshrl.u32 s1, $0x2  }
0xb9: {  	s3 =	sand.u32 $0x4000, s31;
	s1 =	sadd.s32 s1, s30  }
0xba: {  	s0 =	sor.u32 s3, s0;
	s1 =	sshll.u32 s1, $0x11  }
0xbb: {  	s0 =	sor.u32 s1, s0  }
0xbc: {  	s0 =	sadd.s32 $0x8F2B, s0  }
0xbd: {  	[sflag:s0] =	ssyncadd.remote.s32 $0x1  }
0xbe: {  	_ =	sfence.sel $0xFFFF  }
0xbf: {  	[dreg:$0x0] =	wrdreg $0xFFFFFFFF;
	(pc) =	sbr.abs _section_cstart, $3  }
0xc0: {  	[dreg:$0x1] =	wrdreg $0xFFFFFFFF  }
0xc1: {  	_ =	task.clear_ibuf [dreg:s7], $0x2FFFF;
	_ =	strace $0x9FFFFFFF  }
0xc2: {  	(tm) =	ssettm $0x7FFFFFFF  }
0xc3: {  	_ =	shalt  }
tec
execute0_lowered:
.L_overlay_start_1:
0x0: {  	(tag) =	ssettag $0x1  }
0x1: {  	s8 =	rddreg [dreg:$0x0]  }
0x2: {  	s2 =	rddreg [dreg:$0x1]  }
0x3: {  	s0 =	rddreg [dreg:$0x2];
	s1 =	simm.s32 $0x0  }
0x4: {  	s3 =	srdreg.scid;
	s16 =	simm.s32 $0x1000;
	s17 =	simm.s32 $0x3  }
0x5: {  	s18 =	simm.s32 $0x2;
	s19 =	simm.s32 $0x0;
	[smem:$0x7FF] =	sst s1  }
0x6: {  	s10 =	sadd.s32 $0x2200, s2;
	s2 =	stileid.u32;
	s3 =	sand.u32 $0x1, s3  }
0x7: {  	_ =	strace $0x80000047;
	s4 =	ssub.s32 $0x2, s3;
	s9 =	sshll.u32 s3, $0x9  }
0x8: {  	s11 =	sshll.u32 s2, $0xE;
	s13 =	sshll.u32 s2, $0xA;
	s25 =	sshrl.u32 s4, $0x1  }
0x9: {  	s5 =	sor.u32 s9, s11;
	s6 =	sor.u32 $0x80, s9;
	s29 =	sor.u32 s9, s13  }
0xa: {  	s14 =	sor.u32 $0x100, s9;
	s9 =	sor.u32 $0x180, s9;
	s12 =	ssub.s32 s4, s25  }
0xb: {  	s26 =	sshrl.u32 s5, $0x3;
	s28 =	sor.u32 s11, s6;
	s5 =	sshrl.u32 s29, $0x3  }
0xc: {  	s7 =	sor.u32 s11, s14;
	s6 =	sor.u32 s13, s6;
	s11 =	sor.u32 s11, s9  }
0xd: {  	s14 =	sor.u32 s13, s14;
	s9 =	sor.u32 s13, s9;
	s13 =	simm.s32 $0x400  }
0xe: {  	s3 =	sadd.s32 s8, s26;
	s4 =	sshrl.u32 s28, $0x3;
	s5 =	sadd.s32 s10, s5  }
0xf: {  	s7 =	sshrl.u32 s7, $0x3;
	s15 =	sshrl.u32 s6, $0x3;
	s11 =	sshrl.u32 s11, $0x3  }
0x10: {  	s30 =	sshrl.u32 s14, $0x3;
	s31 =	sshrl.u32 s9, $0x3;
	s14 =	simm.s32 $0x1  }
0x11: {  	s4 =	sadd.s32 s8, s4;
	s6 =	sadd.s32 s8, s7;
	s7 =	sadd.s32 s10, s15  }
0x12: {  	s8 =	sadd.s32 s8, s11;
	s9 =	sadd.s32 s10, s30;
	s10 =	sadd.s32 s10, s31  }
0x13: {  	v0 =	vimm.f32 $0.0e+00;
	v1 =	vimm.f32 $1.000000000e+00;
	s11 =	smax.u32 s12, $0x1;
	s12 =	simm.s32 $0x80;
	s15 =	simm.s32 $0x800  }
.LBB2_1:
0x14: {  	[tilespmem:s1], [sflag:$0x1] =	stream.strided.gather [hbm4b:s3+s12], $0x800, s13, s12, $0x38;
	[tilespmem:$0x1080] =	vst v63  }
0x15: {  	_ =	swait.ge [sflag:s14], $0x800  }
0x16: {  	[sflag:s14] =	ssyncset.done $0x0  }
0x17: {  	[sflag:s14] =	ssyncadd.s32 $0xFFFFF800  }
0x18: {  	[tilespmem:s15], [sflag:$0x2] =	stream.strided.gather [hbm4b:s4+s12], $0x800, s13, s12, $0x38;
	[tilespmem:$0x1080] =	vst v63  }
0x19: {  	[tilespmem:$0x1000] =	vst v0  }
0x1a: {  	[tilespmem:$0x1010] =	vst v0  }
0x1b: {  	[tilespmem:$0x1020] =	vst v0  }
0x1c: {  	s20 =	simm.s32 $0x0;
	[tilespmem:$0x1030] =	vst v0  }
.LBB2_2:
0x1d: {  	s21 =	sshra.s32 s20, $0x2  }
0x1e: {  	v2 =	vld [tilespmem:s21+$0x0];
	_ =	sdelay $0x7  }
0x1f: {  	[tilespmem:v2+s16+$0x0] =	vst.idx.add.f32.msk $0xffff, v1  }
0x20: {  	v2 =	vld [tilespmem:s21+$0x10];
	_ =	sdelay $0x7  }
0x21: {  	[tilespmem:v2+s16+$0x0] =	vst.idx.add.f32.msk $0xffff, v1  }
0x22: {  	v2 =	vld [tilespmem:s21+$0x20];
	_ =	sdelay $0x7  }
0x23: {  	[tilespmem:v2+s16+$0x0] =	vst.idx.add.f32.msk $0xffff, v1  }
0x24: {  	v2 =	vld [tilespmem:s21+$0x30];
	_ =	sdelay $0x7  }
0x25: {  	[tilespmem:v2+s16+$0x0] =	vst.idx.add.f32.msk $0xffff, v1  }
0x26: {  	v2 =	vld [tilespmem:s21+$0x40];
	_ =	sdelay $0x7  }
0x27: {  	[tilespmem:v2+s16+$0x0] =	vst.idx.add.f32.msk $0xffff, v1  }
0x28: {  	v2 =	vld [tilespmem:s21+$0x50];
	_ =	sdelay $0x7  }
0x29: {  	[tilespmem:v2+s16+$0x0] =	vst.idx.add.f32.msk $0xffff, v1  }
0x2a: {  	v2 =	vld [tilespmem:s21+$0x60];
	_ =	sdelay $0x7  }
0x2b: {  	[tilespmem:v2+s16+$0x0] =	vst.idx.add.f32.msk $0xffff, v1  }
0x2c: {  	v2 =	vld [tilespmem:s21+$0x70];
	_ =	sdelay $0x2  }
0x2d: {  	p0 =	sne.s32 s20, $0x1E00  }
.Ltmp0:
0x2e: {  	_ = 	snop;
	(pc) =	sbr.rel @p0 .LBB2_2-.Ltmp0, $2  }
0x2f: {  	_ =	sdelay $0x2  }
0x30: {  	s20 =	sadd.s32 $0x200, s20;
	[tilespmem:v2+s16+$0x0] =	vst.idx.add.f32.msk $0xffff, v1  }
0x31: {  	s20 =	simm.s32 $0x0  }
0x32: {  	[hbm4b:s5+s20] =	stream.linear.scatter [tilespmem:s16], [sflag:$0x3], $0x80, $0x38;
	[tilespmem:$0x1080] =	vst v63  }
0x33: {  	_ =	swait.ge [sflag:s17], $0x80  }
0x34: {  	[sflag:s17] =	ssyncset.done $0x0  }
0x35: {  	[sflag:s17] =	ssyncadd.s32 $0xFFFFFF80  }
0x36: {  	_ =	swait.ge [sflag:s18], $0x800  }
0x37: {  	[sflag:s18] =	ssyncset.done $0x0  }
0x38: {  	[sflag:s18] =	ssyncadd.s32 $0xFFFFF800  }
0x39: {  	[tilespmem:s20], [sflag:$0x1] =	stream.strided.gather [hbm4b:s6+s12], $0x800, s13, s12, $0x38;
	[tilespmem:$0x1080] =	vst v63  }
0x3a: {  	[tilespmem:$0x1000] =	vst v0  }
0x3b: {  	[tilespmem:$0x1010] =	vst v0  }
0x3c: {  	[tilespmem:$0x1020] =	vst v0  }
0x3d: {  	[tilespmem:$0x1030] =	vst v0  }
.LBB2_4:
0x3e: {  	s21 =	sshra.s32 s20, $0x2  }
0x3f: {  	v2 =	vld [tilespmem:s21+$0x800];
	_ =	sdelay $0x7  }
0x40: {  	[tilespmem:v2+s16+$0x0] =	vst.idx.add.f32.msk $0xffff, v1  }
0x41: {  	v2 =	vld [tilespmem:s21+$0x810];
	_ =	sdelay $0x7  }
0x42: {  	[tilespmem:v2+s16+$0x0] =	vst.idx.add.f32.msk $0xffff, v1  }
0x43: {  	v2 =	vld [tilespmem:s21+$0x820];
	_ =	sdelay $0x7  }
0x44: {  	[tilespmem:v2+s16+$0x0] =	vst.idx.add.f32.msk $0xffff, v1  }
0x45: {  	v2 =	vld [tilespmem:s21+$0x830];
	_ =	sdelay $0x7  }
0x46: {  	[tilespmem:v2+s16+$0x0] =	vst.idx.add.f32.msk $0xffff, v1  }
0x47: {  	v2 =	vld [tilespmem:s21+$0x840];
	_ =	sdelay $0x7  }
0x48: {  	[tilespmem:v2+s16+$0x0] =	vst.idx.add.f32.msk $0xffff, v1  }
0x49: {  	v2 =	vld [tilespmem:s21+$0x850];
	_ =	sdelay $0x7  }
0x4a: {  	[tilespmem:v2+s16+$0x0] =	vst.idx.add.f32.msk $0xffff, v1  }
0x4b: {  	v2 =	vld [tilespmem:s21+$0x860];
	_ =	sdelay $0x7  }
0x4c: {  	[tilespmem:v2+s16+$0x0] =	vst.idx.add.f32.msk $0xffff, v1  }
0x4d: {  	v2 =	vld [tilespmem:s21+$0x870];
	_ =	sdelay $0x2  }
0x4e: {  	p0 =	sne.s32 s20, $0x1E00  }
.Ltmp1:
0x4f: {  	_ = 	snop;
	(pc) =	sbr.rel @p0 .LBB2_4-.Ltmp1, $2  }
0x50: {  	_ =	sdelay $0x2  }
0x51: {  	s20 =	sadd.s32 $0x200, s20;
	[tilespmem:v2+s16+$0x0] =	vst.idx.add.f32.msk $0xffff, v1  }
0x52: {  	s20 =	simm.s32 $0x0  }
0x53: {  	[hbm4b:s7+s20] =	stream.linear.scatter [tilespmem:s16], [sflag:$0x3], $0x80, $0x38;
	[tilespmem:$0x1080] =	vst v63  }
0x54: {  	_ =	swait.ge [sflag:s17], $0x80  }
0x55: {  	[sflag:s17] =	ssyncset.done $0x0  }
0x56: {  	[sflag:s17] =	ssyncadd.s32 $0xFFFFFF80  }
0x57: {  	_ =	swait.ge [sflag:s14], $0x800  }
0x58: {  	[sflag:s14] =	ssyncset.done $0x0  }
0x59: {  	[sflag:s14] =	ssyncadd.s32 $0xFFFFF800  }
0x5a: {  	[tilespmem:s15], [sflag:$0x2] =	stream.strided.gather [hbm4b:s8+s12], $0x800, s13, s12, $0x38;
	[tilespmem:$0x1080] =	vst v63  }
0x5b: {  	[tilespmem:$0x1000] =	vst v0  }
0x5c: {  	[tilespmem:$0x1010] =	vst v0  }
0x5d: {  	[tilespmem:$0x1020] =	vst v0  }
0x5e: {  	[tilespmem:$0x1030] =	vst v0  }
.LBB2_6:
0x5f: {  	s21 =	sshra.s32 s20, $0x2  }
0x60: {  	v2 =	vld [tilespmem:s21+$0x0];
	_ =	sdelay $0x7  }
0x61: {  	[tilespmem:v2+s16+$0x0] =	vst.idx.add.f32.msk $0xffff, v1  }
0x62: {  	v2 =	vld [tilespmem:s21+$0x10];
	_ =	sdelay $0x7  }
0x63: {  	[tilespmem:v2+s16+$0x0] =	vst.idx.add.f32.msk $0xffff, v1  }
0x64: {  	v2 =	vld [tilespmem:s21+$0x20];
	_ =	sdelay $0x7  }
0x65: {  	[tilespmem:v2+s16+$0x0] =	vst.idx.add.f32.msk $0xffff, v1  }
0x66: {  	v2 =	vld [tilespmem:s21+$0x30];
	_ =	sdelay $0x7  }
0x67: {  	[tilespmem:v2+s16+$0x0] =	vst.idx.add.f32.msk $0xffff, v1  }
0x68: {  	v2 =	vld [tilespmem:s21+$0x40];
	_ =	sdelay $0x7  }
0x69: {  	[tilespmem:v2+s16+$0x0] =	vst.idx.add.f32.msk $0xffff, v1  }
0x6a: {  	v2 =	vld [tilespmem:s21+$0x50];
	_ =	sdelay $0x7  }
0x6b: {  	[tilespmem:v2+s16+$0x0] =	vst.idx.add.f32.msk $0xffff, v1  }
0x6c: {  	v2 =	vld [tilespmem:s21+$0x60];
	_ =	sdelay $0x7  }
0x6d: {  	[tilespmem:v2+s16+$0x0] =	vst.idx.add.f32.msk $0xffff, v1  }
0x6e: {  	v2 =	vld [tilespmem:s21+$0x70];
	_ =	sdelay $0x2  }
0x6f: {  	p0 =	sne.s32 s20, $0x1E00  }
.Ltmp2:
0x70: {  	_ = 	snop;
	(pc) =	sbr.rel @p0 .LBB2_6-.Ltmp2, $2  }
0x71: {  	_ =	sdelay $0x2  }
0x72: {  	s20 =	sadd.s32 $0x200, s20;
	[tilespmem:v2+s16+$0x0] =	vst.idx.add.f32.msk $0xffff, v1  }
0x73: {  	s20 =	simm.s32 $0x0  }
0x74: {  	[hbm4b:s9+s20] =	stream.linear.scatter [tilespmem:s16], [sflag:$0x3], $0x80, $0x38;
	[tilespmem:$0x1080] =	vst v63  }
0x75: {  	_ =	swait.ge [sflag:s17], $0x80  }
0x76: {  	[sflag:s17] =	ssyncset.done $0x0  }
0x77: {  	[sflag:s17] =	ssyncadd.s32 $0xFFFFFF80  }
0x78: {  	_ =	swait.ge [sflag:s18], $0x800  }
0x79: {  	[sflag:s18] =	ssyncset.done $0x0  }
0x7a: {  	[sflag:s18] =	ssyncadd.s32 $0xFFFFF800  }
0x7b: {  	[tilespmem:$0x1000] =	vst v0  }
0x7c: {  	[tilespmem:$0x1010] =	vst v0  }
0x7d: {  	[tilespmem:$0x1020] =	vst v0  }
0x7e: {  	[tilespmem:$0x1030] =	vst v0  }
.LBB2_8:
0x7f: {  	s21 =	sshra.s32 s20, $0x2  }
0x80: {  	v2 =	vld [tilespmem:s21+$0x800];
	_ =	sdelay $0x7  }
0x81: {  	[tilespmem:v2+s16+$0x0] =	vst.idx.add.f32.msk $0xffff, v1  }
0x82: {  	v2 =	vld [tilespmem:s21+$0x810];
	_ =	sdelay $0x7  }
0x83: {  	[tilespmem:v2+s16+$0x0] =	vst.idx.add.f32.msk $0xffff, v1  }
0x84: {  	v2 =	vld [tilespmem:s21+$0x820];
	_ =	sdelay $0x7  }
0x85: {  	[tilespmem:v2+s16+$0x0] =	vst.idx.add.f32.msk $0xffff, v1  }
0x86: {  	v2 =	vld [tilespmem:s21+$0x830];
	_ =	sdelay $0x7  }
0x87: {  	[tilespmem:v2+s16+$0x0] =	vst.idx.add.f32.msk $0xffff, v1  }
0x88: {  	v2 =	vld [tilespmem:s21+$0x840];
	_ =	sdelay $0x7  }
0x89: {  	[tilespmem:v2+s16+$0x0] =	vst.idx.add.f32.msk $0xffff, v1  }
0x8a: {  	v2 =	vld [tilespmem:s21+$0x850];
	_ =	sdelay $0x7  }
0x8b: {  	[tilespmem:v2+s16+$0x0] =	vst.idx.add.f32.msk $0xffff, v1  }
0x8c: {  	v2 =	vld [tilespmem:s21+$0x860];
	_ =	sdelay $0x7  }
0x8d: {  	[tilespmem:v2+s16+$0x0] =	vst.idx.add.f32.msk $0xffff, v1  }
0x8e: {  	v2 =	vld [tilespmem:s21+$0x870];
	_ =	sdelay $0x2  }
0x8f: {  	p0 =	sne.s32 s20, $0x1E00  }
.Ltmp3:
0x90: {  	_ = 	snop;
	(pc) =	sbr.rel @p0 .LBB2_8-.Ltmp3, $2  }
0x91: {  	_ =	sdelay $0x2  }
0x92: {  	s20 =	sadd.s32 $0x200, s20;
	[tilespmem:v2+s16+$0x0] =	vst.idx.add.f32.msk $0xffff, v1  }
0x93: {  	s19 =	sadd.s32 $0x1, s19  }
0x94: {  	p0 =	sne.s32 s19, s11  }
.Ltmp4:
0x95: {  	_ = 	snop;
	(pc) =	sbr.rel @p0 .LBB2_1-.Ltmp4, $4  }
0x96: {  	[hbm4b:s10+s1] =	stream.linear.scatter [tilespmem:s16], [sflag:$0x3], $0x80, $0x38;
	[tilespmem:$0x1080] =	vst v63  }
0x97: {  	_ =	swait.ge [sflag:s17], $0x80  }
0x98: {  	[sflag:s17] =	ssyncset.done $0x0  }
0x99: {  	[sflag:s17] =	ssyncadd.s32 $0xFFFFFF80  }
0x9a: {  	_ =	sfence.sel $0x180000  }
0x9b: {  	[bflag:$0x0] =	sbarrier.arrive $0xFFFF  }
0x9c: {  	p0 =	sne.s32 s2, $0x0;
	_ =	strace $0x90000047  }
0x9d: {  	s0 =	sadd.s32 @!p0 $0x100000, s0;
	[bflag:$0x2] =	sbarrier.arrive $0xFFFF  }
0x9e: {  	[sflag:s0] =	ssyncadd.tile.s32 @!p0 $0x1;
	_ =	shalt  }
.Lfunc_end2:
_tile_overlayer_lowered:
.L_overlay_start_2:
0x9f: {  	(tag) =	ssettag $0x2  }
0xa0: {  	s0 =	rddreg [dreg:$0x0];
	s2 =	stileid.u32  }
0xa1: {  	s1 =	rddreg [dreg:$0x1];
	p0 =	sne.s32 s2, $0x0  }
0xa2: {  	s3 =	rddreg [dreg:$0x2];
	[bflag:$0x3] =	sbarrier.arrive $0xFFFF;
	s2 =	simm.s32 @!p0 $0x1C03  }
0xa3: {  	[timem:s3], [sflag:s2] =	dma.local @!p0 [hbm:s0], s1  }
0xa4: {  	s0 =	simm.s32 @!p0 $0x3  }
0xa5: {  	_ =	swait.ge @!p0 [sflag:s0], s1  }
0xa6: {  	s1 =	ssub.s32 @!p0 $0x0, s1;
	[sflag:s0] =	ssyncset.done @!p0 $0x0  }
0xa7: {  	[sflag:s0] =	ssyncadd.s32 @!p0 s1  }
0xa8: {  	[bflag:$0x3] =	sbarrier.arrive $0xFFFF  }
0xa9: {  	_ =	shalt  }

</sc_bundles>
